<compile_context>
chip_gen: v7x
topology: tpu7x:2x2x1
jax: 0.10.2.dev20260603
libtpu: 0.0.44.dev20260713+nightly
codegen_flags: <defaults>
</compile_context>

<pallas_src>
import jax
import jax.numpy as jnp
from jax import lax
from jax.experimental import pallas as pl
from jax.experimental.pallas import tpu as pltpu
from jax.experimental.pallas import tpu_sc as plsc

H = 512
W = 512
NPOS = 11
BW = 5
SH = 3
NSEG = 8
L16 = 16
INF = float("inf")


def _vgather(x, idx):
    dnums = lax.GatherDimensionNumbers(
        offset_dims=(), collapsed_slice_dims=(0,), start_index_map=(0,))
    return lax.gather(x, idx[:, None], dnums, (1,),
                      mode=lax.GatherScatterMode.PROMISE_IN_BOUNDS)


def _sc_dp_body(gm_hbm, paths_hbm, bandv2, bandh2, bandt, patha, pathb,
                path2a, path2b, cost_v, outpa, outpb, semv, semh):
    cid = lax.axis_index("c")
    sid = lax.axis_index("s")
    wid = sid * 2 + cid
    iota = lax.broadcasted_iota(jnp.int32, (L16,), 0)
    shl = jnp.maximum(iota - 1, 0)
    shr = jnp.minimum(iota + 1, L16 - 1)
    zero16 = jnp.zeros((L16,), jnp.int32)
    in_band = (iota >= SH) & (iota < SH + NPOS)
    b_img = wid // 8
    p_slot = lax.rem(wid, 8)
    HP = H + 1

    def fused_dp():
        abase = (p_slot + 1) * 64 - BW - SH
        col0 = iota * HP
        cost0a = jnp.where(in_band, -bandv2[0], INF)
        cost0b = jnp.where(in_band, -plsc.load_gather(bandt, [col0]), INF)

        @plsc.parallel_loop(1, H, carry=(cost0a, cost0b, iota, iota),
                            unroll=16)
        def fwd(l, carry):
            ca, cb, p1a, p1b = carry
            out = []
            for cost, p1p, path_ref, path2_ref in (
                    (ca, p1a, patha, path2a), (cb, p1b, pathb, path2b)):
                a = _vgather(cost, shl)
                c = _vgather(cost, shr)
                m = jnp.minimum(jnp.minimum(a, cost), c)
                take_l = (a <= cost) & (a <= c)
                take_m = cost <= c
                delta = jnp.where(take_l, -1, jnp.where(take_m, 0, 1))
                p1 = iota + delta.astype(jnp.int32)
                path_ref[pl.ds(l * L16, L16)] = p1
                path2_ref[pl.ds(l * L16, L16)] = _vgather(
                    p1p, jnp.maximum(p1, 0))
                out.append((m, p1))
            na = jnp.where(in_band, out[0][0] - bandv2[l], INF)
            nb = jnp.where(in_band,
                           out[1][0] - plsc.load_gather(bandt, [col0 + l]),
                           INF)
            return (na, nb, out[0][1], out[1][1])

        fa, fb = fwd[0], fwd[1]
        cost_v[pl.ds(0, L16)] = fa
        cost_v[pl.ds(L16, L16)] = fb

        def amin(j, carry):
            best, bidx = carry
            c = cost_v[pl.ds(j, L16)][0]
            pred = c < best
            return (jnp.where(pred, c, best),
                    jnp.where(pred, j, bidx))

        _, ia0 = lax.fori_loop(SH, SH + NPOS, amin, (INF, jnp.int32(SH)))
        _, ib0 = lax.fori_loop(L16 + SH, L16 + SH + NPOS, amin,
                               (INF, jnp.int32(L16 + SH)))
        ib0 = ib0 - L16

        @plsc.parallel_loop(0, H // 2, carry=(ia0, zero16, ib0, zero16),
                            unroll=16)
        def bwd(t, carry):
            ia, acca, ib, accb = carry
            l = (H - 1) - 2 * t
            lane = lax.rem(l, L16)
            iam1 = patha[pl.ds(l * L16 + ia, L16)][0]
            ibm1 = pathb[pl.ds(l * L16 + ib, L16)][0]
            iam2 = path2a[pl.ds(l * L16 + ia, L16)][0]
            ibm2 = path2b[pl.ds(l * L16 + ib, L16)][0]
            acca = jnp.where(iota == lane, abase + ia,
                             jnp.where(iota == lane - 1, abase + iam1, acca))
            accb = jnp.where(iota == lane, abase + ib,
                             jnp.where(iota == lane - 1, abase + ibm1, accb))

            @pl.when(lane == 1)
            def _():
                outpa[pl.ds(l - 1, L16)] = acca
                outpb[pl.ds(l - 1, L16)] = accb

            return (iam2, acca, ibm2, accb)

        pltpu.sync_copy(outpa, paths_hbm.at[b_img, p_slot])
        pltpu.sync_copy(outpb, paths_hbm.at[b_img, 8 + p_slot])

    @pl.when(p_slot < 7)
    def _():
        abase = (p_slot + 1) * 64 - BW - SH
        hh = pltpu.async_copy(gm_hbm.at[b_img, pl.ds(abase, L16), :],
                              bandh2, semh)
        hv = pltpu.async_copy(gm_hbm.at[b_img, :, pl.ds(abase, L16)],
                              bandv2, semv)
        hh.wait()

        @plsc.parallel_loop(0, H, unroll=8)
        def relay(t):
            bandt[pl.ds(t * L16 + t // 32, L16)] = \
                bandh2[t // 32, pl.ds(lax.rem(t, 32) * L16, L16)]

        hv.wait()
        fused_dp()


def _label_body(paths_ref, out_ref):
    iw = lax.broadcasted_iota(jnp.int16, (H, W), 1)
    ih = lax.broadcasted_iota(jnp.int16, (H, W), 0)
    acc_v = jnp.zeros((H, W), jnp.int16)
    acc_h = jnp.zeros((H, W), jnp.int16)
    for p in range(7):
        vp = paths_ref[0, p, :].astype(jnp.int16)
        acc_v += (vp[:, None] <= iw).astype(jnp.int16)
    for q in range(7):
        hq = paths_ref[0, 8 + q, :].astype(jnp.int16)
        acc_h += (hq[None, :] <= ih).astype(jnp.int16)
    out_ref[0] = (acc_v + NSEG * acc_h).astype(jnp.int32)


@jax.jit
def _run(gm):
    B = gm.shape[0]
    mesh = plsc.VectorSubcoreMesh(
        core_axis_name="c", subcore_axis_name="s", num_cores=2,
        num_subcores=16)
    sc_call = pl.kernel(
        _sc_dp_body,
        out_type=jax.ShapeDtypeStruct((4, L16, H), jnp.int32),
        mesh=mesh,
        scratch_types=[
            pltpu.VMEM((H, L16), jnp.float32),
            pltpu.VMEM((L16, H), jnp.float32),
            pltpu.VMEM((L16 * (H + 1),), jnp.float32),
            pltpu.VMEM((H * L16 + L16,), jnp.int32),
            pltpu.VMEM((H * L16 + L16,), jnp.int32),
            pltpu.VMEM((H * L16 + L16,), jnp.int32),
            pltpu.VMEM((H * L16 + L16,), jnp.int32),
            pltpu.VMEM((48,), jnp.float32),
            pltpu.VMEM((H,), jnp.int32),
            pltpu.VMEM((H,), jnp.int32),
            pltpu.SemaphoreType.DMA,
            pltpu.SemaphoreType.DMA,
        ],
        compiler_params=pltpu.CompilerParams(use_tc_tiling_on_sc=False,
                                             needs_layout_passes=False),
    )
    paths = sc_call(gm)

    out = pl.pallas_call(
        _label_body,
        grid=(B,),
        in_specs=[pl.BlockSpec((1, 2 * 8, H), lambda b: (b, 0, 0))],
        out_specs=pl.BlockSpec((1, H, W), lambda b: (b, 0, 0)),
        out_shape=jax.ShapeDtypeStruct((B, H, W), jnp.int32),
    )(paths)
    return out


def kernel(grad_map, segmentation_mask, band_width):
    del segmentation_mask, band_width
    return _run(grad_map[:, 0])

# --- scband reference (transcript-rebuilt; emitter-appended) ---
"""Pipeline reference for scband-boundary-path-finder-5394478924371 (READ-ONLY COPY).

The authoritative reference and input builder live on the scoring server;
editing this copy changes nothing except your own understanding.
"""

import jax, jax.numpy as jnp
import numpy as np

NUM_SEG_ROW = 8
NUM_SEG_COL = 8
H = 512
W = 512
BAND_WIDTH = 5


def setup_inputs(seed: int = 0) -> dict:
    key = jax.random.key(seed)
    k1, k2 = jax.random.split(key)
    grad_map = jax.random.normal(k1, (4, 1, H, W), dtype=jnp.float32)
    segmentation_mask = jax.random.randint(k2, (4, H, W), 0, 64).astype(jnp.int64)
    return {"grad_map": grad_map, "segmentation_mask": segmentation_mask, "band_width": 5}


def _find_paths(gm, inits, band_width):
    # gm: [L, S]; DP over axis 0 (L steps), positions index axis 1.
    L, S = gm.shape
    P = inits.shape[0]
    Npos = 2 * BAND_WIDTH + 1
    offsets = jnp.arange(2 * BAND_WIDTH + 1) - band_width
    pos_indices = jnp.clip(inits[:, None] + offsets[None, :], 0, S - 1).astype(jnp.int32)  # [P, Npos]
    positions = jnp.arange(Npos)
    nbr = jnp.clip(positions[None, :, None] + jnp.array([-1, 0, 1])[None, None, :], 0, Npos - 1)  # [1,Npos,3]
    nbr = jnp.broadcast_to(nbr, (P, Npos, 3))
    inf_col = jnp.full((P, 1), jnp.inf, dtype=gm.dtype)

    cost0 = -jnp.take_along_axis(jnp.broadcast_to(gm[0][None, :], (P, S)), pos_indices, axis=1)

    def step(prev_cost, grad_row):
        padded = jnp.concatenate([inf_col, prev_cost, inf_col], axis=1)  # [P, Npos+2]
        prev_costs = jnp.take_along_axis(
            jnp.broadcast_to(padded[:, None, :], (P, Npos, Npos + 2)), nbr + 1, axis=2)  # [P,Npos,3]
        min_prev = prev_costs.min(axis=2)
        min_idx = jnp.argmin(prev_costs, axis=2)
        cur = -jnp.take_along_axis(jnp.broadcast_to(grad_row[None, :], (P, S)), pos_indices, axis=1)
        new_cost = min_prev + cur
        path_y = jnp.take_along_axis(nbr, min_idx[:, :, None], axis=2)[:, :, 0]
        return new_cost, path_y

    final_cost, paths_tail = jax.lax.scan(step, cost0, gm[1:])  # [L-1, P, Npos]
    paths = jnp.concatenate([jnp.zeros((1, P, Npos), dtype=paths_tail.dtype), paths_tail], axis=0)
    idx0 = jnp.argmin(final_cost, axis=1)  # [P]
    ar = jnp.arange(P)

    def bstep(idx, path_y):
        pos = pos_indices[ar, idx]
        new_idx = path_y[ar, idx]
        return new_idx, pos

    _, opt = jax.lax.scan(bstep, idx0, paths, reverse=True)  # [L, P]
    return opt.T  # [P, L]


def _adjust_one(gm2d, band_width):
    x_inits = jnp.clip(jnp.array([i * (W // NUM_SEG_COL) for i in range(1, NUM_SEG_COL)]), 0, W - 1)
    v_paths = _find_paths(gm2d, x_inits, band_width)  # [Pv, H] column index per row
    y_inits = jnp.clip(jnp.array([i * (H // NUM_SEG_ROW) for i in range(1, NUM_SEG_ROW)]), 0, H - 1)
    h_paths = _find_paths(gm2d.T, y_inits, band_width)  # [Ph, W] row index per column
    Pv = v_paths.shape[0]
    Ph = h_paths.shape[0]
    rows = jnp.broadcast_to(jnp.arange(H)[None, :], (Pv, H))
    mask_v = jnp.zeros((H, W), dtype=jnp.int32).at[rows, v_paths].set(1)
    cols = jnp.broadcast_to(jnp.arange(W)[None, :], (Ph, W))
    mask_h = jnp.zeros((H, W), dtype=jnp.int32).at[h_paths, cols].set(1)
    v_labels = jnp.cumsum(mask_v, axis=1)
    h_labels = jnp.cumsum(mask_h, axis=0)
    return v_labels + NUM_SEG_COL * h_labels


def reference(grad_map, segmentation_mask, band_width):
    # segmentation_mask contributes only its shape in the original adjust_boundaries
    out = jax.vmap(lambda g: _adjust_one(g[0], band_width))(grad_map)
    return out.astype(jnp.int32)

if __name__ == "__main__":
    import jax
    _d = setup_inputs()
    print(jax.jit(kernel)(*tuple(_d.values())))

</pallas_src>

<mosaic_0001>
#map = affine_map<(d0, d1) -> (0, 0, 0)>
module attributes {stable_mosaic.version = 14 : i64} {
  func.func @_sc_dp_body(%arg0: i32, %arg1: i32, %arg2: memref<4x512x512xf32, #tpu.memory_space<hbm>>, %arg3: memref<4x16x512xi32, #tpu.memory_space<hbm>>, %arg4: memref<512x16xf32, #tpu.memory_space<vmem>>, %arg5: memref<16x512xf32, #tpu.memory_space<vmem>>, %arg6: memref<8208xf32, #tpu.memory_space<vmem>>, %arg7: memref<8208xi32, #tpu.memory_space<vmem>>, %arg8: memref<8208xi32, #tpu.memory_space<vmem>>, %arg9: memref<8208xi32, #tpu.memory_space<vmem>>, %arg10: memref<8208xi32, #tpu.memory_space<vmem>>, %arg11: memref<48xf32, #tpu.memory_space<vmem>>, %arg12: memref<512xi32, #tpu.memory_space<vmem>>, %arg13: memref<512xi32, #tpu.memory_space<vmem>>, %arg14: memref<!tpu.dma_semaphore, #tpu.memory_space<semaphore_mem>>, %arg15: memref<!tpu.dma_semaphore, #tpu.memory_space<semaphore_mem>>) attributes {dimension_semantics = [#tpu.dimension_semantics<core_parallel>, #tpu.dimension_semantics<subcore_parallel>], iteration_bounds = array<i64: 2, 16>, scalar_prefetch = 0 : i64, scratch_operands = 12 : i64, tpu.core_type = #tpu.core_type<sc_vector_subcore>, window_params = [{transform_indices = #map}, {transform_indices = #map}]} {
    %mul3A = arith.constant 2 : i32
    %mul3A_0 = arith.muli %arg1, %mul3A : i32
    %add3A = arith.addi %mul3A_0, %arg0 : i32
    %iota3A = tpu.iota {dimensions = array<i32: 0>} : vector<16xi32>
    %sub3A = arith.constant 1 : i32
    %sub3A_1 = vector.broadcast %sub3A : i32 to vector<16xi32>
    %sub3A_2 = arith.subi %iota3A, %sub3A_1 : vector<16xi32>
    %max3A = arith.constant 0 : i32
    %max3A_3 = vector.broadcast %max3A : i32 to vector<16xi32>
    %max3A_4 = arith.maxsi %sub3A_2, %max3A_3 : vector<16xi32>
    %add3A_5 = arith.constant 1 : i32
    %add3A_6 = vector.broadcast %add3A_5 : i32 to vector<16xi32>
    %add3A_7 = arith.addi %iota3A, %add3A_6 : vector<16xi32>
    %min3A = arith.constant 15 : i32
    %min3A_8 = vector.broadcast %min3A : i32 to vector<16xi32>
    %min3A_9 = arith.minsi %add3A_7, %min3A_8 : vector<16xi32>
    %broadcast_in_dim3A = arith.constant 0 : i32
    %broadcast_in_dim3A_10 = vector.broadcast %broadcast_in_dim3A : i32 to vector<16xi32>
    %ge3A = arith.constant 3 : i32
    %ge3A_11 = vector.broadcast %ge3A : i32 to vector<16xi32>
    %ge3A_12 = arith.cmpi sge, %iota3A, %ge3A_11 : vector<16xi32>
    %lt3A = arith.constant 14 : i32
    %lt3A_13 = vector.broadcast %lt3A : i32 to vector<16xi32>
    %lt3A_14 = arith.cmpi slt, %iota3A, %lt3A_13 : vector<16xi32>
    %and3A = arith.andi %ge3A_12, %lt3A_14 : vector<16xi1>
    %jit3A = arith.constant 8 : i32
    %div3A = arith.divsi %add3A, %jit3A : i32
    %sign3A = arith.constant 0 : i32
    %sign3A_15 = arith.cmpi sgt, %add3A, %sign3A : i32
    %sign3A_16 = arith.extui %sign3A_15 : i1 to i32
    %sign3A_17 = arith.constant 0 : i32
    %sign3A_18 = arith.cmpi slt, %add3A, %sign3A_17 : i32
    %sign3A_19 = arith.extui %sign3A_18 : i1 to i32
    %sign3A_20 = arith.subi %sign3A_16, %sign3A_19 : i32
    %sign3A_21 = arith.constant 0 : i32
    %sign3A_22 = arith.cmpi sgt, %jit3A, %sign3A_21 : i32
    %sign3A_23 = arith.extui %sign3A_22 : i1 to i32
    %sign3A_24 = arith.constant 0 : i32
    %sign3A_25 = arith.cmpi slt, %jit3A, %sign3A_24 : i32
    %sign3A_26 = arith.extui %sign3A_25 : i1 to i32
    %sign3A_27 = arith.subi %sign3A_23, %sign3A_26 : i32
    %ne3A = arith.cmpi ne, %sign3A_20, %sign3A_27 : i32
    %rem3A = arith.remsi %add3A, %jit3A : i32
    %ne3A_28 = arith.constant 0 : i32
    %ne3A_29 = arith.cmpi ne, %rem3A, %ne3A_28 : i32
    %and3A_30 = arith.andi %ne3A, %ne3A_29 : i1
    %sub3A_31 = arith.constant 1 : i32
    %sub3A_32 = arith.subi %div3A, %sub3A_31 : i32
    %select_n3A = arith.select %and3A_30, %sub3A_32, %div3A : i32
    %rem3A_33 = arith.constant 8 : i32
    %rem3A_34 = arith.remsi %add3A, %rem3A_33 : i32
    %lt3A_35 = arith.constant 7 : i32
    %lt3A_36 = arith.cmpi slt, %rem3A_34, %lt3A_35 : i32
    %convert_element_type3A = arith.extui %lt3A_36 : i1 to i32
    %cond3A = arith.constant 0 : i32
    %cond3A_37 = arith.cmpi ne, %convert_element_type3A, %cond3A : i32
    scf.if %cond3A_37 {
      %add3A_38 = arith.constant 1 : i32
      %add3A_39 = arith.addi %rem3A_34, %add3A_38 : i32
      %mul3A_40 = arith.constant 64 : i32
      %mul3A_41 = arith.muli %add3A_39, %mul3A_40 : i32
      %sub3A_42 = arith.constant 5 : i32
      %sub3A_43 = arith.subi %mul3A_41, %sub3A_42 : i32
      %sub3A_44 = arith.constant 3 : i32
      %sub3A_45 = arith.subi %sub3A_43, %sub3A_44 : i32
      %dma_start3A = arith.constant 0 : i32
      %dma_start3A_46 = tpu.memref_slice %arg2[%select_n3A, %sub3A_45, %dma_start3A] : memref<4x512x512xf32, #tpu.memory_space<hbm>> -> memref<1x16x512xf32, #tpu.memory_space<hbm>>
      %dma_start3A_47 = tpu.memref_squeeze %dma_start3A_46 : memref<1x16x512xf32, #tpu.memory_space<hbm>> -> memref<16x512xf32, #tpu.memory_space<hbm>>
      %dma_start3A_48 = arith.constant 0 : i32
      %dma_start3A_49 = tpu.memref_slice %arg2[%select_n3A, %sub3A_45, %dma_start3A_48] : memref<4x512x512xf32, #tpu.memory_space<hbm>> -> memref<1x16x512xf32, #tpu.memory_space<hbm>>
      %dma_start3A_50 = tpu.memref_squeeze %dma_start3A_49 : memref<1x16x512xf32, #tpu.memory_space<hbm>> -> memref<16x512xf32, #tpu.memory_space<hbm>>
      tpu.enqueue_dma source(%dma_start3A_50 : memref<16x512xf32, #tpu.memory_space<hbm>>) target(%arg5 : memref<16x512xf32, #tpu.memory_space<vmem>>) target_semaphore(%arg15 : memref<!tpu.dma_semaphore, #tpu.memory_space<semaphore_mem>>)
      %dma_start3A_51 = arith.constant 0 : i32
      %dma_start3A_52 = tpu.memref_slice %arg2[%select_n3A, %dma_start3A_51, %sub3A_45] : memref<4x512x512xf32, #tpu.memory_space<hbm>> -> memref<1x512x16xf32, #tpu.memory_space<hbm>>
      %dma_start3A_53 = tpu.memref_squeeze %dma_start3A_52 : memref<1x512x16xf32, #tpu.memory_space<hbm>> -> memref<512x16xf32, #tpu.memory_space<hbm>>
      %dma_start3A_54 = arith.constant 0 : i32
      %dma_start3A_55 = tpu.memref_slice %arg2[%select_n3A, %dma_start3A_54, %sub3A_45] : memref<4x512x512xf32, #tpu.memory_space<hbm>> -> memref<1x512x16xf32, #tpu.memory_space<hbm>>
      %dma_start3A_56 = tpu.memref_squeeze %dma_start3A_55 : memref<1x512x16xf32, #tpu.memory_space<hbm>> -> memref<512x16xf32, #tpu.memory_space<hbm>>
      tpu.enqueue_dma source(%dma_start3A_56 : memref<512x16xf32, #tpu.memory_space<hbm>>) target(%arg4 : memref<512x16xf32, #tpu.memory_space<vmem>>) target_semaphore(%arg14 : memref<!tpu.dma_semaphore, #tpu.memory_space<semaphore_mem>>)
      %dma_wait3A = arith.constant 0 : i32
      %dma_wait3A_57 = tpu.memref_slice %arg2[%select_n3A, %sub3A_45, %dma_wait3A] : memref<4x512x512xf32, #tpu.memory_space<hbm>> -> memref<1x16x512xf32, #tpu.memory_space<hbm>>
      %dma_wait3A_58 = tpu.memref_squeeze %dma_wait3A_57 : memref<1x16x512xf32, #tpu.memory_space<hbm>> -> memref<16x512xf32, #tpu.memory_space<hbm>>
      %dma_wait3A_59 = arith.constant 0 : i32
      %dma_wait3A_60 = tpu.memref_slice %arg2[%select_n3A, %sub3A_45, %dma_wait3A_59] : memref<4x512x512xf32, #tpu.memory_space<hbm>> -> memref<1x16x512xf32, #tpu.memory_space<hbm>>
      %dma_wait3A_61 = tpu.memref_squeeze %dma_wait3A_60 : memref<1x16x512xf32, #tpu.memory_space<hbm>> -> memref<16x512xf32, #tpu.memory_space<hbm>>
      tpu.wait_dma2 semaphore(%arg15 : memref<!tpu.dma_semaphore, #tpu.memory_space<semaphore_mem>>) src(%dma_wait3A_61 : memref<16x512xf32, #tpu.memory_space<hbm>>) dst(%arg5 : memref<16x512xf32, #tpu.memory_space<vmem>>)
      %parallel_loop3A = arith.constant 0 : i32
      %parallel_loop3A_62 = arith.constant 512 : i32
      %parallel_loop3A_63 = arith.constant 1 : i32
      scf.for %parallel_loop3A_125 = %parallel_loop3A to %parallel_loop3A_62 step %parallel_loop3A_63  : i32 {
        %parallel_loop3A_126 = arith.constant 32 : i32
        %parallel_loop3A_127 = arith.divsi %parallel_loop3A_125, %parallel_loop3A_126 : i32
        %parallel_loop3A_128 = arith.constant 0 : i32
        %parallel_loop3A_129 = arith.cmpi sgt, %parallel_loop3A_125, %parallel_loop3A_128 : i32
        %parallel_loop3A_130 = arith.extui %parallel_loop3A_129 : i1 to i32
        %parallel_loop3A_131 = arith.constant 0 : i32
        %parallel_loop3A_132 = arith.cmpi slt, %parallel_loop3A_125, %parallel_loop3A_131 : i32
        %parallel_loop3A_133 = arith.extui %parallel_loop3A_132 : i1 to i32
        %parallel_loop3A_134 = arith.subi %parallel_loop3A_130, %parallel_loop3A_133 : i32
        %parallel_loop3A_135 = arith.constant 0 : i32
        %parallel_loop3A_136 = arith.cmpi sgt, %parallel_loop3A_126, %parallel_loop3A_135 : i32
        %parallel_loop3A_137 = arith.extui %parallel_loop3A_136 : i1 to i32
        %parallel_loop3A_138 = arith.constant 0 : i32
        %parallel_loop3A_139 = arith.cmpi slt, %parallel_loop3A_126, %parallel_loop3A_138 : i32
        %parallel_loop3A_140 = arith.extui %parallel_loop3A_139 : i1 to i32
        %parallel_loop3A_141 = arith.subi %parallel_loop3A_137, %parallel_loop3A_140 : i32
        %parallel_loop3A_142 = arith.cmpi ne, %parallel_loop3A_134, %parallel_loop3A_141 : i32
        %parallel_loop3A_143 = arith.remsi %parallel_loop3A_125, %parallel_loop3A_126 : i32
        %parallel_loop3A_144 = arith.constant 0 : i32
        %parallel_loop3A_145 = arith.cmpi ne, %parallel_loop3A_143, %parallel_loop3A_144 : i32
        %parallel_loop3A_146 = arith.andi %parallel_loop3A_142, %parallel_loop3A_145 : i1
        %parallel_loop3A_147 = arith.constant 1 : i32
        %parallel_loop3A_148 = arith.subi %parallel_loop3A_127, %parallel_loop3A_147 : i32
        %parallel_loop3A_149 = arith.select %parallel_loop3A_146, %parallel_loop3A_148, %parallel_loop3A_127 : i32
        %parallel_loop3A_150 = arith.constant 32 : i32
        %parallel_loop3A_151 = arith.remsi %parallel_loop3A_125, %parallel_loop3A_150 : i32
        %parallel_loop3A_152 = arith.constant 16 : i32
        %parallel_loop3A_153 = arith.muli %parallel_loop3A_151, %parallel_loop3A_152 : i32
        %parallel_loop3A_154 = arith.index_cast %parallel_loop3A_149 : i32 to index
        %parallel_loop3A_155 = arith.index_cast %parallel_loop3A_153 : i32 to index
        %parallel_loop3A_156 = tpu.vector_load %arg5[%parallel_loop3A_154, %parallel_loop3A_155] {strides = array<i32>} : memref<16x512xf32, #tpu.memory_space<vmem>>, vector<16xf32>,
        %parallel_loop3A_157 = arith.constant 16 : i32
        %parallel_loop3A_158 = arith.muli %parallel_loop3A_125, %parallel_loop3A_157 : i32
        %parallel_loop3A_159 = arith.constant 32 : i32
        %parallel_loop3A_160 = arith.divsi %parallel_loop3A_125, %parallel_loop3A_159 : i32
        %parallel_loop3A_161 = arith.constant 0 : i32
        %parallel_loop3A_162 = arith.cmpi sgt, %parallel_loop3A_125, %parallel_loop3A_161 : i32
        %parallel_loop3A_163 = arith.extui %parallel_loop3A_162 : i1 to i32
        %parallel_loop3A_164 = arith.constant 0 : i32
        %parallel_loop3A_165 = arith.cmpi slt, %parallel_loop3A_125, %parallel_loop3A_164 : i32
        %parallel_loop3A_166 = arith.extui %parallel_loop3A_165 : i1 to i32
        %parallel_loop3A_167 = arith.subi %parallel_loop3A_163, %parallel_loop3A_166 : i32
        %parallel_loop3A_168 = arith.constant 0 : i32
        %parallel_loop3A_169 = arith.cmpi sgt, %parallel_loop3A_159, %parallel_loop3A_168 : i32
        %parallel_loop3A_170 = arith.extui %parallel_loop3A_169 : i1 to i32
        %parallel_loop3A_171 = arith.constant 0 : i32
        %parallel_loop3A_172 = arith.cmpi slt, %parallel_loop3A_159, %parallel_loop3A_171 : i32
        %parallel_loop3A_173 = arith.extui %parallel_loop3A_172 : i1 to i32
        %parallel_loop3A_174 = arith.subi %parallel_loop3A_170, %parallel_loop3A_173 : i32
        %parallel_loop3A_175 = arith.cmpi ne, %parallel_loop3A_167, %parallel_loop3A_174 : i32
        %parallel_loop3A_176 = arith.remsi %parallel_loop3A_125, %parallel_loop3A_159 : i32
        %parallel_loop3A_177 = arith.constant 0 : i32
        %parallel_loop3A_178 = arith.cmpi ne, %parallel_loop3A_176, %parallel_loop3A_177 : i32
        %parallel_loop3A_179 = arith.andi %parallel_loop3A_175, %parallel_loop3A_178 : i1
        %parallel_loop3A_180 = arith.constant 1 : i32
        %parallel_loop3A_181 = arith.subi %parallel_loop3A_160, %parallel_loop3A_180 : i32
        %parallel_loop3A_182 = arith.select %parallel_loop3A_179, %parallel_loop3A_181, %parallel_loop3A_160 : i32
        %parallel_loop3A_183 = arith.addi %parallel_loop3A_158, %parallel_loop3A_182 : i32
        %parallel_loop3A_184 = arith.index_cast %parallel_loop3A_183 : i32 to index
        %parallel_loop3A_185 = tpu.vector_load %arg6[%parallel_loop3A_184] {strides = array<i32>} : memref<8208xf32, #tpu.memory_space<vmem>>, vector<16xf32>,
        tpu.vector_store %arg6[%parallel_loop3A_184], %parallel_loop3A_156 {strides = array<i32>} : memref<8208xf32, #tpu.memory_space<vmem>>, vector<16xf32>,
      } {sc.loop_unroll_factor = 8 : i64, sc.parallel_access}
      %dma_wait3A_64 = arith.constant 0 : i32
      %dma_wait3A_65 = tpu.memref_slice %arg2[%select_n3A, %dma_wait3A_64, %sub3A_45] : memref<4x512x512xf32, #tpu.memory_space<hbm>> -> memref<1x512x16xf32, #tpu.memory_space<hbm>>
      %dma_wait3A_66 = tpu.memref_squeeze %dma_wait3A_65 : memref<1x512x16xf32, #tpu.memory_space<hbm>> -> memref<512x16xf32, #tpu.memory_space<hbm>>
      %dma_wait3A_67 = arith.constant 0 : i32
      %dma_wait3A_68 = tpu.memref_slice %arg2[%select_n3A, %dma_wait3A_67, %sub3A_45] : memref<4x512x512xf32, #tpu.memory_space<hbm>> -> memref<1x512x16xf32, #tpu.memory_space<hbm>>
      %dma_wait3A_69 = tpu.memref_squeeze %dma_wait3A_68 : memref<1x512x16xf32, #tpu.memory_space<hbm>> -> memref<512x16xf32, #tpu.memory_space<hbm>>
      tpu.wait_dma2 semaphore(%arg14 : memref<!tpu.dma_semaphore, #tpu.memory_space<semaphore_mem>>) src(%dma_wait3A_69 : memref<512x16xf32, #tpu.memory_space<hbm>>) dst(%arg4 : memref<512x16xf32, #tpu.memory_space<vmem>>)
      %add3A_70 = arith.constant 1 : i32
      %add3A_71 = arith.addi %rem3A_34, %add3A_70 : i32
      %mul3A_72 = arith.constant 64 : i32
      %mul3A_73 = arith.muli %add3A_71, %mul3A_72 : i32
      %sub3A_74 = arith.constant 5 : i32
      %sub3A_75 = arith.subi %mul3A_73, %sub3A_74 : i32
      %sub3A_76 = arith.constant 3 : i32
      %sub3A_77 = arith.subi %sub3A_75, %sub3A_76 : i32
      %mul3A_78 = arith.constant 513 : i32
      %mul3A_79 = vector.broadcast %mul3A_78 : i32 to vector<16xi32>
      %mul3A_80 = arith.muli %iota3A, %mul3A_79 : vector<16xi32>
      %get3A = arith.constant 0 : i32
      %get3A_81 = arith.index_cast %get3A : i32 to index
      %get3A_82 = arith.constant 0 : index
      %get3A_83 = tpu.vector_load %arg4[%get3A_81, %get3A_82] {strides = array<i32>} : memref<512x16xf32, #tpu.memory_space<vmem>>, vector<16xf32>,
      %neg3A = arith.constant 0.000000e+00 : f32
      %neg3A_84 = vector.broadcast %neg3A : f32 to vector<16xf32>
      %neg3A_85 = arith.subf %neg3A_84, %get3A_83 : vector<16xf32>
      %jit3A_86 = arith.constant 0x7F800000 : f32
      %broadcast_in_dim3A_87 = vector.broadcast %jit3A_86 : f32 to vector<16xf32>
      %select_n3A_88 = arith.select %and3A, %neg3A_85, %broadcast_in_dim3A_87 : vector<16xi1>, vector<16xf32>
      %gather3A = tpu.vector_load_idx %arg6[%mul3A_80] : memref<8208xf32, #tpu.memory_space<vmem>>[vector<16xi32>], vector<16xf32>,
      %neg3A_89 = arith.constant 0.000000e+00 : f32
      %neg3A_90 = vector.broadcast %neg3A_89 : f32 to vector<16xf32>
      %neg3A_91 = arith.subf %neg3A_90, %gather3A : vector<16xf32>
      %jit3A_92 = arith.constant 0x7F800000 : f32
      %broadcast_in_dim3A_93 = vector.broadcast %jit3A_92 : f32 to vector<16xf32>
      %select_n3A_94 = arith.select %and3A, %neg3A_91, %broadcast_in_dim3A_93 : vector<16xi1>, vector<16xf32>
      %parallel_loop3A_95 = arith.constant 1 : i32
      %parallel_loop3A_96 = arith.constant 512 : i32
      %parallel_loop3A_97 = arith.constant 1 : i32
      %parallel_loop3A_98:4 = scf.for %parallel_loop3A_125 = %parallel_loop3A_95 to %parallel_loop3A_96 step %parallel_loop3A_97 iter_args(%parallel_loop3A_126 = %select_n3A_88, %parallel_loop3A_127 = %select_n3A_94, %parallel_loop3A_128 = %iota3A, %parallel_loop3A_129 = %iota3A) -> (vector<16xf32>, vector<16xf32>, vector<16xi32>, vector<16xi32>)  : i32 {
        %parallel_loop3A_130 = vector.shape_cast %max3A_4 : vector<16xi32> to vector<16x1xi32>
        %parallel_loop3A_131 = vector.shape_cast %parallel_loop3A_130 : vector<16x1xi32> to vector<16xi32>
        %parallel_loop3A_132 = tpu.dynamic_gather %parallel_loop3A_126[%parallel_loop3A_131] in [0] : vector<16xf32>, vector<16xi32> -> vector<16xf32>
        %parallel_loop3A_133 = vector.shape_cast %min3A_9 : vector<16xi32> to vector<16x1xi32>
        %parallel_loop3A_134 = vector.shape_cast %parallel_loop3A_133 : vector<16x1xi32> to vector<16xi32>
        %parallel_loop3A_135 = tpu.dynamic_gather %parallel_loop3A_126[%parallel_loop3A_134] in [0] : vector<16xf32>, vector<16xi32> -> vector<16xf32>
        %parallel_loop3A_136 = arith.minimumf %parallel_loop3A_132, %parallel_loop3A_126 : vector<16xf32>
        %parallel_loop3A_137 = arith.minimumf %parallel_loop3A_136, %parallel_loop3A_135 : vector<16xf32>
        %parallel_loop3A_138 = arith.cmpf ole, %parallel_loop3A_132, %parallel_loop3A_126 : vector<16xf32>
        %parallel_loop3A_139 = arith.cmpf ole, %parallel_loop3A_132, %parallel_loop3A_135 : vector<16xf32>
        %parallel_loop3A_140 = arith.andi %parallel_loop3A_138, %parallel_loop3A_139 : vector<16xi1>
        %parallel_loop3A_141 = arith.cmpf ole, %parallel_loop3A_126, %parallel_loop3A_135 : vector<16xf32>
        %parallel_loop3A_142 = arith.constant 0 : i32
        %parallel_loop3A_143 = arith.constant 1 : i32
        %parallel_loop3A_144 = vector.broadcast %parallel_loop3A_142 : i32 to vector<16xi32>
        %parallel_loop3A_145 = vector.broadcast %parallel_loop3A_143 : i32 to vector<16xi32>
        %parallel_loop3A_146 = arith.select %parallel_loop3A_141, %parallel_loop3A_144, %parallel_loop3A_145 : vector<16xi1>, vector<16xi32>
        %parallel_loop3A_147 = arith.constant -1 : i32
        %parallel_loop3A_148 = vector.broadcast %parallel_loop3A_147 : i32 to vector<16xi32>
        %parallel_loop3A_149 = arith.select %parallel_loop3A_140, %parallel_loop3A_148, %parallel_loop3A_146 : vector<16xi1>, vector<16xi32>
        %parallel_loop3A_150 = arith.addi %iota3A, %parallel_loop3A_149 : vector<16xi32>
        %parallel_loop3A_151 = arith.constant 16 : i32
        %parallel_loop3A_152 = arith.muli %parallel_loop3A_125, %parallel_loop3A_151 : i32
        %parallel_loop3A_153 = arith.index_cast %parallel_loop3A_152 : i32 to index
        %parallel_loop3A_154 = tpu.vector_load %arg7[%parallel_loop3A_153] {strides = array<i32>} : memref<8208xi32, #tpu.memory_space<vmem>>, vector<16xi32>,
        tpu.vector_store %arg7[%parallel_loop3A_153], %parallel_loop3A_150 {strides = array<i32>} : memref<8208xi32, #tpu.memory_space<vmem>>, vector<16xi32>,
        %parallel_loop3A_155 = arith.constant 0 : i32
        %parallel_loop3A_156 = vector.broadcast %parallel_loop3A_155 : i32 to vector<16xi32>
        %parallel_loop3A_157 = arith.maxsi %parallel_loop3A_150, %parallel_loop3A_156 : vector<16xi32>
        %parallel_loop3A_158 = vector.shape_cast %parallel_loop3A_157 : vector<16xi32> to vector<16x1xi32>
        %parallel_loop3A_159 = vector.shape_cast %parallel_loop3A_158 : vector<16x1xi32> to vector<16xi32>
        %parallel_loop3A_160 = tpu.dynamic_gather %parallel_loop3A_128[%parallel_loop3A_159] in [0] : vector<16xi32>, vector<16xi32> -> vector<16xi32>
        %parallel_loop3A_161 = arith.constant 16 : i32
        %parallel_loop3A_162 = arith.muli %parallel_loop3A_125, %parallel_loop3A_161 : i32
        %parallel_loop3A_163 = arith.index_cast %parallel_loop3A_162 : i32 to index
        %parallel_loop3A_164 = tpu.vector_load %arg9[%parallel_loop3A_163] {strides = array<i32>} : memref<8208xi32, #tpu.memory_space<vmem>>, vector<16xi32>,
        tpu.vector_store %arg9[%parallel_loop3A_163], %parallel_loop3A_160 {strides = array<i32>} : memref<8208xi32, #tpu.memory_space<vmem>>, vector<16xi32>,
        %parallel_loop3A_165 = vector.shape_cast %max3A_4 : vector<16xi32> to vector<16x1xi32>
        %parallel_loop3A_166 = vector.shape_cast %parallel_loop3A_165 : vector<16x1xi32> to vector<16xi32>
        %parallel_loop3A_167 = tpu.dynamic_gather %parallel_loop3A_127[%parallel_loop3A_166] in [0] : vector<16xf32>, vector<16xi32> -> vector<16xf32>
        %parallel_loop3A_168 = vector.shape_cast %min3A_9 : vector<16xi32> to vector<16x1xi32>
        %parallel_loop3A_169 = vector.shape_cast %parallel_loop3A_168 : vector<16x1xi32> to vector<16xi32>
        %parallel_loop3A_170 = tpu.dynamic_gather %parallel_loop3A_127[%parallel_loop3A_169] in [0] : vector<16xf32>, vector<16xi32> -> vector<16xf32>
        %parallel_loop3A_171 = arith.minimumf %parallel_loop3A_167, %parallel_loop3A_127 : vector<16xf32>
        %parallel_loop3A_172 = arith.minimumf %parallel_loop3A_171, %parallel_loop3A_170 : vector<16xf32>
        %parallel_loop3A_173 = arith.cmpf ole, %parallel_loop3A_167, %parallel_loop3A_127 : vector<16xf32>
        %parallel_loop3A_174 = arith.cmpf ole, %parallel_loop3A_167, %parallel_loop3A_170 : vector<16xf32>
        %parallel_loop3A_175 = arith.andi %parallel_loop3A_173, %parallel_loop3A_174 : vector<16xi1>
        %parallel_loop3A_176 = arith.cmpf ole, %parallel_loop3A_127, %parallel_loop3A_170 : vector<16xf32>
        %parallel_loop3A_177 = arith.constant 0 : i32
        %parallel_loop3A_178 = arith.constant 1 : i32
        %parallel_loop3A_179 = vector.broadcast %parallel_loop3A_177 : i32 to vector<16xi32>
        %parallel_loop3A_180 = vector.broadcast %parallel_loop3A_178 : i32 to vector<16xi32>
        %parallel_loop3A_181 = arith.select %parallel_loop3A_176, %parallel_loop3A_179, %parallel_loop3A_180 : vector<16xi1>, vector<16xi32>
        %parallel_loop3A_182 = arith.constant -1 : i32
        %parallel_loop3A_183 = vector.broadcast %parallel_loop3A_182 : i32 to vector<16xi32>
        %parallel_loop3A_184 = arith.select %parallel_loop3A_175, %parallel_loop3A_183, %parallel_loop3A_181 : vector<16xi1>, vector<16xi32>
        %parallel_loop3A_185 = arith.addi %iota3A, %parallel_loop3A_184 : vector<16xi32>
        %parallel_loop3A_186 = arith.constant 16 : i32
        %parallel_loop3A_187 = arith.muli %parallel_loop3A_125, %parallel_loop3A_186 : i32
        %parallel_loop3A_188 = arith.index_cast %parallel_loop3A_187 : i32 to index
        %parallel_loop3A_189 = tpu.vector_load %arg8[%parallel_loop3A_188] {strides = array<i32>} : memref<8208xi32, #tpu.memory_space<vmem>>, vector<16xi32>,
        tpu.vector_store %arg8[%parallel_loop3A_188], %parallel_loop3A_185 {strides = array<i32>} : memref<8208xi32, #tpu.memory_space<vmem>>, vector<16xi32>,
        %parallel_loop3A_190 = arith.constant 0 : i32
        %parallel_loop3A_191 = vector.broadcast %parallel_loop3A_190 : i32 to vector<16xi32>
        %parallel_loop3A_192 = arith.maxsi %parallel_loop3A_185, %parallel_loop3A_191 : vector<16xi32>
        %parallel_loop3A_193 = vector.shape_cast %parallel_loop3A_192 : vector<16xi32> to vector<16x1xi32>
        %parallel_loop3A_194 = vector.shape_cast %parallel_loop3A_193 : vector<16x1xi32> to vector<16xi32>
        %parallel_loop3A_195 = tpu.dynamic_gather %parallel_loop3A_129[%parallel_loop3A_194] in [0] : vector<16xi32>, vector<16xi32> -> vector<16xi32>
        %parallel_loop3A_196 = arith.constant 16 : i32
        %parallel_loop3A_197 = arith.muli %parallel_loop3A_125, %parallel_loop3A_196 : i32
        %parallel_loop3A_198 = arith.index_cast %parallel_loop3A_197 : i32 to index
        %parallel_loop3A_199 = tpu.vector_load %arg10[%parallel_loop3A_198] {strides = array<i32>} : memref<8208xi32, #tpu.memory_space<vmem>>, vector<16xi32>,
        tpu.vector_store %arg10[%parallel_loop3A_198], %parallel_loop3A_195 {strides = array<i32>} : memref<8208xi32, #tpu.memory_space<vmem>>, vector<16xi32>,
        %parallel_loop3A_200 = arith.index_cast %parallel_loop3A_125 : i32 to index
        %parallel_loop3A_201 = arith.constant 0 : index
        %parallel_loop3A_202 = tpu.vector_load %arg4[%parallel_loop3A_200, %parallel_loop3A_201] {strides = array<i32>} : memref<512x16xf32, #tpu.memory_space<vmem>>, vector<16xf32>,
        %parallel_loop3A_203 = arith.subf %parallel_loop3A_137, %parallel_loop3A_202 : vector<16xf32>
        %parallel_loop3A_204 = arith.constant 0x7F800000 : f32
        %parallel_loop3A_205 = vector.broadcast %parallel_loop3A_204 : f32 to vector<16xf32>
        %parallel_loop3A_206 = arith.select %and3A, %parallel_loop3A_203, %parallel_loop3A_205 : vector<16xi1>, vector<16xf32>
        %parallel_loop3A_207 = vector.broadcast %parallel_loop3A_125 : i32 to vector<16xi32>
        %parallel_loop3A_208 = arith.addi %mul3A_80, %parallel_loop3A_207 : vector<16xi32>
        %parallel_loop3A_209 = tpu.vector_load_idx %arg6[%parallel_loop3A_208] : memref<8208xf32, #tpu.memory_space<vmem>>[vector<16xi32>], vector<16xf32>,
        %parallel_loop3A_210 = arith.subf %parallel_loop3A_172, %parallel_loop3A_209 : vector<16xf32>
        %parallel_loop3A_211 = arith.constant 0x7F800000 : f32
        %parallel_loop3A_212 = vector.broadcast %parallel_loop3A_211 : f32 to vector<16xf32>
        %parallel_loop3A_213 = arith.select %and3A, %parallel_loop3A_210, %parallel_loop3A_212 : vector<16xi1>, vector<16xf32>
        scf.yield %parallel_loop3A_206, %parallel_loop3A_213, %parallel_loop3A_150, %parallel_loop3A_185 : vector<16xf32>, vector<16xf32>, vector<16xi32>, vector<16xi32>
      } {sc.loop_unroll_factor = 16 : i64, sc.parallel_access}
      %swap3A = arith.constant 0 : index
      %swap3A_99 = tpu.vector_load %arg11[%swap3A] {strides = array<i32>} : memref<48xf32, #tpu.memory_space<vmem>>, vector<16xf32>,
      tpu.vector_store %arg11[%swap3A], %parallel_loop3A_98#0 {strides = array<i32>} : memref<48xf32, #tpu.memory_space<vmem>>, vector<16xf32>,
      %swap3A_100 = arith.constant 16 : index
      %swap3A_101 = tpu.vector_load %arg11[%swap3A_100] {strides = array<i32>} : memref<48xf32, #tpu.memory_space<vmem>>, vector<16xf32>,
      tpu.vector_store %arg11[%swap3A_100], %parallel_loop3A_98#1 {strides = array<i32>} : memref<48xf32, #tpu.memory_space<vmem>>, vector<16xf32>,
      %scan3A = arith.constant 0x7F800000 : f32
      %scan3A_102 = arith.constant 3 : i32
      %scan3A_103 = arith.constant 3 : i32
      %scan3A_104 = arith.constant 11 : i32
      %scan3A_105 = arith.addi %scan3A_103, %scan3A_104 : i32
      %scan3A_106 = arith.constant 1 : i32
      %scan3A_107:2 = scf.for %scan3A_125 = %scan3A_103 to %scan3A_105 step %scan3A_106 iter_args(%scan3A_126 = %scan3A, %scan3A_127 = %scan3A_102) -> (f32, i32)  : i32 {
        %get3A_128 = arith.index_cast %scan3A_125 : i32 to index
        %get3A_129 = tpu.vector_load %arg11[%get3A_128] {strides = array<i32>} : memref<48xf32, #tpu.memory_space<vmem>>, vector<16xf32>,
        %slice3A = vector.extract_strided_slice %get3A_129 {offsets = [0], sizes = [1], strides = [1]} : vector<16xf32> to vector<1xf32>
        %squeeze3A = vector.extract %slice3A[0] : f32 from vector<1xf32>
        %lt3A_130 = arith.cmpf olt, %squeeze3A, %scan3A_126 : f32
        %select_n3A_131 = arith.select %lt3A_130, %squeeze3A, %scan3A_126 : f32
        %select_n3A_132 = arith.select %lt3A_130, %scan3A_125, %scan3A_127 : i32
        scf.yield %select_n3A_131, %select_n3A_132 : f32, i32
      }
      %scan3A_108 = arith.constant 11 : i32
      %scan3A_109 = arith.constant 0x7F800000 : f32
      %scan3A_110 = arith.constant 19 : i32
      %scan3A_111 = arith.constant 19 : i32
      %scan3A_112 = arith.constant 11 : i32
      %scan3A_113 = arith.addi %scan3A_111, %scan3A_112 : i32
      %scan3A_114 = arith.constant 1 : i32
      %scan3A_115:2 = scf.for %scan3A_125 = %scan3A_111 to %scan3A_113 step %scan3A_114 iter_args(%scan3A_126 = %scan3A_109, %scan3A_127 = %scan3A_110) -> (f32, i32)  : i32 {
        %get3A_128 = arith.index_cast %scan3A_125 : i32 to index
        %get3A_129 = tpu.vector_load %arg11[%get3A_128] {strides = array<i32>} : memref<48xf32, #tpu.memory_space<vmem>>, vector<16xf32>,
        %slice3A = vector.extract_strided_slice %get3A_129 {offsets = [0], sizes = [1], strides = [1]} : vector<16xf32> to vector<1xf32>
        %squeeze3A = vector.extract %slice3A[0] : f32 from vector<1xf32>
        %lt3A_130 = arith.cmpf olt, %squeeze3A, %scan3A_126 : f32
        %select_n3A_131 = arith.select %lt3A_130, %squeeze3A, %scan3A_126 : f32
        %select_n3A_132 = arith.select %lt3A_130, %scan3A_125, %scan3A_127 : i32
        scf.yield %select_n3A_131, %select_n3A_132 : f32, i32
      }
      %scan3A_116 = arith.constant 11 : i32
      %sub3A_117 = arith.constant 16 : i32
      %sub3A_118 = arith.subi %scan3A_115#1, %sub3A_117 : i32
      %parallel_loop3A_119 = arith.constant 0 : i32
      %parallel_loop3A_120 = arith.constant 256 : i32
      %parallel_loop3A_121 = arith.constant 1 : i32
      %parallel_loop3A_122:4 = scf.for %parallel_loop3A_125 = %parallel_loop3A_119 to %parallel_loop3A_120 step %parallel_loop3A_121 iter_args(%parallel_loop3A_126 = %scan3A_107#1, %parallel_loop3A_127 = %broadcast_in_dim3A_10, %parallel_loop3A_128 = %sub3A_118, %parallel_loop3A_129 = %broadcast_in_dim3A_10) -> (i32, vector<16xi32>, i32, vector<16xi32>)  : i32 {
        %parallel_loop3A_130 = arith.constant 2 : i32
        %parallel_loop3A_131 = arith.muli %parallel_loop3A_130, %parallel_loop3A_125 : i32
        %parallel_loop3A_132 = arith.constant 511 : i32
        %parallel_loop3A_133 = arith.subi %parallel_loop3A_132, %parallel_loop3A_131 : i32
        %parallel_loop3A_134 = arith.constant 16 : i32
        %parallel_loop3A_135 = arith.remsi %parallel_loop3A_133, %parallel_loop3A_134 : i32
        %parallel_loop3A_136 = arith.constant 16 : i32
        %parallel_loop3A_137 = arith.muli %parallel_loop3A_133, %parallel_loop3A_136 : i32
        %parallel_loop3A_138 = arith.addi %parallel_loop3A_137, %parallel_loop3A_126 : i32
        %parallel_loop3A_139 = arith.index_cast %parallel_loop3A_138 : i32 to index
        %parallel_loop3A_140 = tpu.vector_load %arg7[%parallel_loop3A_139] {strides = array<i32>} : memref<8208xi32, #tpu.memory_space<vmem>>, vector<16xi32>,
        %parallel_loop3A_141 = vector.extract_strided_slice %parallel_loop3A_140 {offsets = [0], sizes = [1], strides = [1]} : vector<16xi32> to vector<1xi32>
        %parallel_loop3A_142 = vector.extract %parallel_loop3A_141[0] : i32 from vector<1xi32>
        %parallel_loop3A_143 = arith.constant 16 : i32
        %parallel_loop3A_144 = arith.muli %parallel_loop3A_133, %parallel_loop3A_143 : i32
        %parallel_loop3A_145 = arith.addi %parallel_loop3A_144, %parallel_loop3A_128 : i32
        %parallel_loop3A_146 = arith.index_cast %parallel_loop3A_145 : i32 to index
        %parallel_loop3A_147 = tpu.vector_load %arg8[%parallel_loop3A_146] {strides = array<i32>} : memref<8208xi32, #tpu.memory_space<vmem>>, vector<16xi32>,
        %parallel_loop3A_148 = vector.extract_strided_slice %parallel_loop3A_147 {offsets = [0], sizes = [1], strides = [1]} : vector<16xi32> to vector<1xi32>
        %parallel_loop3A_149 = vector.extract %parallel_loop3A_148[0] : i32 from vector<1xi32>
        %parallel_loop3A_150 = arith.constant 16 : i32
        %parallel_loop3A_151 = arith.muli %parallel_loop3A_133, %parallel_loop3A_150 : i32
        %parallel_loop3A_152 = arith.addi %parallel_loop3A_151, %parallel_loop3A_126 : i32
        %parallel_loop3A_153 = arith.index_cast %parallel_loop3A_152 : i32 to index
        %parallel_loop3A_154 = tpu.vector_load %arg9[%parallel_loop3A_153] {strides = array<i32>} : memref<8208xi32, #tpu.memory_space<vmem>>, vector<16xi32>,
        %parallel_loop3A_155 = vector.extract_strided_slice %parallel_loop3A_154 {offsets = [0], sizes = [1], strides = [1]} : vector<16xi32> to vector<1xi32>
        %parallel_loop3A_156 = vector.extract %parallel_loop3A_155[0] : i32 from vector<1xi32>
        %parallel_loop3A_157 = arith.constant 16 : i32
        %parallel_loop3A_158 = arith.muli %parallel_loop3A_133, %parallel_loop3A_157 : i32
        %parallel_loop3A_159 = arith.addi %parallel_loop3A_158, %parallel_loop3A_128 : i32
        %parallel_loop3A_160 = arith.index_cast %parallel_loop3A_159 : i32 to index
        %parallel_loop3A_161 = tpu.vector_load %arg10[%parallel_loop3A_160] {strides = array<i32>} : memref<8208xi32, #tpu.memory_space<vmem>>, vector<16xi32>,
        %parallel_loop3A_162 = vector.extract_strided_slice %parallel_loop3A_161 {offsets = [0], sizes = [1], strides = [1]} : vector<16xi32> to vector<1xi32>
        %parallel_loop3A_163 = vector.extract %parallel_loop3A_162[0] : i32 from vector<1xi32>
        %parallel_loop3A_164 = vector.broadcast %parallel_loop3A_135 : i32 to vector<16xi32>
        %parallel_loop3A_165 = arith.cmpi eq, %iota3A, %parallel_loop3A_164 : vector<16xi32>
        %parallel_loop3A_166 = arith.addi %sub3A_77, %parallel_loop3A_126 : i32
        %parallel_loop3A_167 = arith.constant 1 : i32
        %parallel_loop3A_168 = arith.subi %parallel_loop3A_135, %parallel_loop3A_167 : i32
        %parallel_loop3A_169 = vector.broadcast %parallel_loop3A_168 : i32 to vector<16xi32>
        %parallel_loop3A_170 = arith.cmpi eq, %iota3A, %parallel_loop3A_169 : vector<16xi32>
        %parallel_loop3A_171 = arith.addi %sub3A_77, %parallel_loop3A_142 : i32
        %parallel_loop3A_172 = vector.broadcast %parallel_loop3A_171 : i32 to vector<16xi32>
        %parallel_loop3A_173 = arith.select %parallel_loop3A_170, %parallel_loop3A_172, %parallel_loop3A_127 : vector<16xi1>, vector<16xi32>
        %parallel_loop3A_174 = vector.broadcast %parallel_loop3A_166 : i32 to vector<16xi32>
        %parallel_loop3A_175 = arith.select %parallel_loop3A_165, %parallel_loop3A_174, %parallel_loop3A_173 : vector<16xi1>, vector<16xi32>
        %parallel_loop3A_176 = vector.broadcast %parallel_loop3A_135 : i32 to vector<16xi32>
        %parallel_loop3A_177 = arith.cmpi eq, %iota3A, %parallel_loop3A_176 : vector<16xi32>
        %parallel_loop3A_178 = arith.addi %sub3A_77, %parallel_loop3A_128 : i32
        %parallel_loop3A_179 = arith.constant 1 : i32
        %parallel_loop3A_180 = arith.subi %parallel_loop3A_135, %parallel_loop3A_179 : i32
        %parallel_loop3A_181 = vector.broadcast %parallel_loop3A_180 : i32 to vector<16xi32>
        %parallel_loop3A_182 = arith.cmpi eq, %iota3A, %parallel_loop3A_181 : vector<16xi32>
        %parallel_loop3A_183 = arith.addi %sub3A_77, %parallel_loop3A_149 : i32
        %parallel_loop3A_184 = vector.broadcast %parallel_loop3A_183 : i32 to vector<16xi32>
        %parallel_loop3A_185 = arith.select %parallel_loop3A_182, %parallel_loop3A_184, %parallel_loop3A_129 : vector<16xi1>, vector<16xi32>
        %parallel_loop3A_186 = vector.broadcast %parallel_loop3A_178 : i32 to vector<16xi32>
        %parallel_loop3A_187 = arith.select %parallel_loop3A_177, %parallel_loop3A_186, %parallel_loop3A_185 : vector<16xi1>, vector<16xi32>
        %parallel_loop3A_188 = arith.constant 1 : i32
        %parallel_loop3A_189 = arith.cmpi eq, %parallel_loop3A_135, %parallel_loop3A_188 : i32
        %parallel_loop3A_190 = arith.extui %parallel_loop3A_189 : i1 to i32
        %parallel_loop3A_191 = arith.constant 0 : i32
        %parallel_loop3A_192 = arith.cmpi ne, %parallel_loop3A_190, %parallel_loop3A_191 : i32
        scf.if %parallel_loop3A_192 {
          %parallel_loop3A_193 = arith.constant 1 : i32
          %parallel_loop3A_194 = arith.subi %parallel_loop3A_133, %parallel_loop3A_193 : i32
          %parallel_loop3A_195 = arith.index_cast %parallel_loop3A_194 : i32 to index
          %parallel_loop3A_196 = tpu.vector_load %arg12[%parallel_loop3A_195] {strides = array<i32>} : memref<512xi32, #tpu.memory_space<vmem>>, vector<16xi32>,
          tpu.vector_store %arg12[%parallel_loop3A_195], %parallel_loop3A_175 {strides = array<i32>} : memref<512xi32, #tpu.memory_space<vmem>>, vector<16xi32>,
          %parallel_loop3A_197 = arith.constant 1 : i32
          %parallel_loop3A_198 = arith.subi %parallel_loop3A_133, %parallel_loop3A_197 : i32
          %parallel_loop3A_199 = arith.index_cast %parallel_loop3A_198 : i32 to index
          %parallel_loop3A_200 = tpu.vector_load %arg13[%parallel_loop3A_199] {strides = array<i32>} : memref<512xi32, #tpu.memory_space<vmem>>, vector<16xi32>,
          tpu.vector_store %arg13[%parallel_loop3A_199], %parallel_loop3A_187 {strides = array<i32>} : memref<512xi32, #tpu.memory_space<vmem>>, vector<16xi32>,
        } else {
        }
        scf.yield %parallel_loop3A_156, %parallel_loop3A_175, %parallel_loop3A_163, %parallel_loop3A_187 : i32, vector<16xi32>, i32, vector<16xi32>
      } {sc.loop_unroll_factor = 16 : i64, sc.parallel_access}
      "tpu.region"() ({
        %run_scoped3A = tpu.sem_alloc : memref<!tpu.dma_semaphore, #tpu.memory_space<semaphore_mem>>
        %dma_start3A_125 = arith.constant 0 : i32
        %dma_start3A_126 = tpu.memref_slice %arg3[%select_n3A, %rem3A_34, %dma_start3A_125] : memref<4x16x512xi32, #tpu.memory_space<hbm>> -> memref<1x1x512xi32, #tpu.memory_space<hbm>>
        %dma_start3A_127 = tpu.memref_squeeze %dma_start3A_126 : memref<1x1x512xi32, #tpu.memory_space<hbm>> -> memref<512xi32, #tpu.memory_space<hbm>>
        %dma_start3A_128 = arith.constant 0 : i32
        %dma_start3A_129 = tpu.memref_slice %arg3[%select_n3A, %rem3A_34, %dma_start3A_128] : memref<4x16x512xi32, #tpu.memory_space<hbm>> -> memref<1x1x512xi32, #tpu.memory_space<hbm>>
        %dma_start3A_130 = tpu.memref_squeeze %dma_start3A_129 : memref<1x1x512xi32, #tpu.memory_space<hbm>> -> memref<512xi32, #tpu.memory_space<hbm>>
        tpu.enqueue_dma source(%arg12 : memref<512xi32, #tpu.memory_space<vmem>>) target(%dma_start3A_130 : memref<512xi32, #tpu.memory_space<hbm>>) target_semaphore(%run_scoped3A : memref<!tpu.dma_semaphore, #tpu.memory_space<semaphore_mem>>)
        %dma_wait3A_131 = arith.constant 0 : i32
        %dma_wait3A_132 = tpu.memref_slice %arg3[%select_n3A, %rem3A_34, %dma_wait3A_131] : memref<4x16x512xi32, #tpu.memory_space<hbm>> -> memref<1x1x512xi32, #tpu.memory_space<hbm>>
        %dma_wait3A_133 = tpu.memref_squeeze %dma_wait3A_132 : memref<1x1x512xi32, #tpu.memory_space<hbm>> -> memref<512xi32, #tpu.memory_space<hbm>>
        %dma_wait3A_134 = arith.constant 0 : i32
        %dma_wait3A_135 = tpu.memref_slice %arg3[%select_n3A, %rem3A_34, %dma_wait3A_134] : memref<4x16x512xi32, #tpu.memory_space<hbm>> -> memref<1x1x512xi32, #tpu.memory_space<hbm>>
        %dma_wait3A_136 = tpu.memref_squeeze %dma_wait3A_135 : memref<1x1x512xi32, #tpu.memory_space<hbm>> -> memref<512xi32, #tpu.memory_space<hbm>>
        tpu.wait_dma2 semaphore(%run_scoped3A : memref<!tpu.dma_semaphore, #tpu.memory_space<semaphore_mem>>) src(%arg12 : memref<512xi32, #tpu.memory_space<vmem>>) dst(%dma_wait3A_136 : memref<512xi32, #tpu.memory_space<hbm>>)
        tpu.yield
      }) : () -> ()
      %add3A_123 = arith.constant 8 : i32
      %add3A_124 = arith.addi %add3A_123, %rem3A_34 : i32
      "tpu.region"() ({
        %run_scoped3A = tpu.sem_alloc : memref<!tpu.dma_semaphore, #tpu.memory_space<semaphore_mem>>
        %dma_start3A_125 = arith.constant 0 : i32
        %dma_start3A_126 = tpu.memref_slice %arg3[%select_n3A, %add3A_124, %dma_start3A_125] : memref<4x16x512xi32, #tpu.memory_space<hbm>> -> memref<1x1x512xi32, #tpu.memory_space<hbm>>
        %dma_start3A_127 = tpu.memref_squeeze %dma_start3A_126 : memref<1x1x512xi32, #tpu.memory_space<hbm>> -> memref<512xi32, #tpu.memory_space<hbm>>
        %dma_start3A_128 = arith.constant 0 : i32
        %dma_start3A_129 = tpu.memref_slice %arg3[%select_n3A, %add3A_124, %dma_start3A_128] : memref<4x16x512xi32, #tpu.memory_space<hbm>> -> memref<1x1x512xi32, #tpu.memory_space<hbm>>
        %dma_start3A_130 = tpu.memref_squeeze %dma_start3A_129 : memref<1x1x512xi32, #tpu.memory_space<hbm>> -> memref<512xi32, #tpu.memory_space<hbm>>
        tpu.enqueue_dma source(%arg13 : memref<512xi32, #tpu.memory_space<vmem>>) target(%dma_start3A_130 : memref<512xi32, #tpu.memory_space<hbm>>) target_semaphore(%run_scoped3A : memref<!tpu.dma_semaphore, #tpu.memory_space<semaphore_mem>>)
        %dma_wait3A_131 = arith.constant 0 : i32
        %dma_wait3A_132 = tpu.memref_slice %arg3[%select_n3A, %add3A_124, %dma_wait3A_131] : memref<4x16x512xi32, #tpu.memory_space<hbm>> -> memref<1x1x512xi32, #tpu.memory_space<hbm>>
        %dma_wait3A_133 = tpu.memref_squeeze %dma_wait3A_132 : memref<1x1x512xi32, #tpu.memory_space<hbm>> -> memref<512xi32, #tpu.memory_space<hbm>>
        %dma_wait3A_134 = arith.constant 0 : i32
        %dma_wait3A_135 = tpu.memref_slice %arg3[%select_n3A, %add3A_124, %dma_wait3A_134] : memref<4x16x512xi32, #tpu.memory_space<hbm>> -> memref<1x1x512xi32, #tpu.memory_space<hbm>>
        %dma_wait3A_136 = tpu.memref_squeeze %dma_wait3A_135 : memref<1x1x512xi32, #tpu.memory_space<hbm>> -> memref<512xi32, #tpu.memory_space<hbm>>
        tpu.wait_dma2 semaphore(%run_scoped3A : memref<!tpu.dma_semaphore, #tpu.memory_space<semaphore_mem>>) src(%arg13 : memref<512xi32, #tpu.memory_space<vmem>>) dst(%dma_wait3A_136 : memref<512xi32, #tpu.memory_space<hbm>>)
        tpu.yield
      }) : () -> ()
    } else {
    }
    return
  }
}

module attributes {stable_mosaic.version = 14 : i64} {
  func.func @_label_body(%arg0: i32, %arg1: memref<1x16x512xi32, #tpu.memory_space<vmem>>, %arg2: memref<1x512x512xi32, #tpu.memory_space<vmem>>) attributes {dimension_semantics = [#tpu.dimension_semantics<arbitrary>], iteration_bounds = array<i64: 4>, scalar_prefetch = 0 : i64, scratch_operands = 0 : i64, tpu.core_type = #tpu.core_type<tc>, window_params = [{transform_indices = @transform_0, window_bounds = array<i64: 1, 16, 512>}, {transform_indices = @transform_1, window_bounds = array<i64: 1, 512, 512>}]} {
    %iota3A = tpu.iota {dimensions = array<i32: 1>} : vector<512x512xi16>
    %iota3A_0 = tpu.iota {dimensions = array<i32: 0>} : vector<512x512xi16>
    %broadcast_in_dim3A = arith.constant 0 : i16
    %broadcast_in_dim3A_1 = vector.broadcast %broadcast_in_dim3A : i16 to vector<512x512xi16>
    %broadcast_in_dim3A_2 = arith.constant 0 : i16
    %broadcast_in_dim3A_3 = vector.broadcast %broadcast_in_dim3A_2 : i16 to vector<512x512xi16>
    %get3A = arith.constant 0 : index
    %get3A_4 = arith.constant 0 : index
    %get3A_5 = arith.constant 0 : index
    %get3A_6 = vector.load %arg1[%get3A, %get3A_4, %get3A_5] : memref<1x16x512xi32, #tpu.memory_space<vmem>>, vector<1x1x512xi32>
    %get3A_7 = vector.shape_cast %get3A_6 : vector<1x1x512xi32> to vector<512xi32>
    %convert_element_type3A = arith.trunci %get3A_7 : vector<512xi32> to vector<512xi16>
    %broadcast_in_dim3A_8 = vector.shape_cast %convert_element_type3A : vector<512xi16> to vector<512x1xi16>
    %le3A = vector.broadcast %broadcast_in_dim3A_8 : vector<512x1xi16> to vector<512x512xi16>
    %le3A_9 = arith.cmpi sle, %le3A, %iota3A : vector<512x512xi16>
    %convert_element_type3A_10 = arith.extui %le3A_9 : vector<512x512xi1> to vector<512x512xi16>
    %add3A = arith.addi %broadcast_in_dim3A_1, %convert_element_type3A_10 : vector<512x512xi16>
    %get3A_11 = arith.constant 0 : index
    %get3A_12 = arith.constant 1 : index
    %get3A_13 = arith.constant 0 : index
    %get3A_14 = vector.load %arg1[%get3A_11, %get3A_12, %get3A_13] : memref<1x16x512xi32, #tpu.memory_space<vmem>>, vector<1x1x512xi32>
    %get3A_15 = vector.shape_cast %get3A_14 : vector<1x1x512xi32> to vector<512xi32>
    %convert_element_type3A_16 = arith.trunci %get3A_15 : vector<512xi32> to vector<512xi16>
    %broadcast_in_dim3A_17 = vector.shape_cast %convert_element_type3A_16 : vector<512xi16> to vector<512x1xi16>
    %le3A_18 = vector.broadcast %broadcast_in_dim3A_17 : vector<512x1xi16> to vector<512x512xi16>
    %le3A_19 = arith.cmpi sle, %le3A_18, %iota3A : vector<512x512xi16>
    %convert_element_type3A_20 = arith.extui %le3A_19 : vector<512x512xi1> to vector<512x512xi16>
    %add3A_21 = arith.addi %add3A, %convert_element_type3A_20 : vector<512x512xi16>
    %get3A_22 = arith.constant 0 : index
    %get3A_23 = arith.constant 2 : index
    %get3A_24 = arith.constant 0 : index
    %get3A_25 = vector.load %arg1[%get3A_22, %get3A_23, %get3A_24] : memref<1x16x512xi32, #tpu.memory_space<vmem>>, vector<1x1x512xi32>
    %get3A_26 = vector.shape_cast %get3A_25 : vector<1x1x512xi32> to vector<512xi32>
    %convert_element_type3A_27 = arith.trunci %get3A_26 : vector<512xi32> to vector<512xi16>
    %broadcast_in_dim3A_28 = vector.shape_cast %convert_element_type3A_27 : vector<512xi16> to vector<512x1xi16>
    %le3A_29 = vector.broadcast %broadcast_in_dim3A_28 : vector<512x1xi16> to vector<512x512xi16>
    %le3A_30 = arith.cmpi sle, %le3A_29, %iota3A : vector<512x512xi16>
    %convert_element_type3A_31 = arith.extui %le3A_30 : vector<512x512xi1> to vector<512x512xi16>
    %add3A_32 = arith.addi %add3A_21, %convert_element_type3A_31 : vector<512x512xi16>
    %get3A_33 = arith.constant 0 : index
    %get3A_34 = arith.constant 3 : index
    %get3A_35 = arith.constant 0 : index
    %get3A_36 = vector.load %arg1[%get3A_33, %get3A_34, %get3A_35] : memref<1x16x512xi32, #tpu.memory_space<vmem>>, vector<1x1x512xi32>
    %get3A_37 = vector.shape_cast %get3A_36 : vector<1x1x512xi32> to vector<512xi32>
    %convert_element_type3A_38 = arith.trunci %get3A_37 : vector<512xi32> to vector<512xi16>
    %broadcast_in_dim3A_39 = vector.shape_cast %convert_element_type3A_38 : vector<512xi16> to vector<512x1xi16>
    %le3A_40 = vector.broadcast %broadcast_in_dim3A_39 : vector<512x1xi16> to vector<512x512xi16>
    %le3A_41 = arith.cmpi sle, %le3A_40, %iota3A : vector<512x512xi16>
    %convert_element_type3A_42 = arith.extui %le3A_41 : vector<512x512xi1> to vector<512x512xi16>
    %add3A_43 = arith.addi %add3A_32, %convert_element_type3A_42 : vector<512x512xi16>
    %get3A_44 = arith.constant 0 : index
    %get3A_45 = arith.constant 4 : index
    %get3A_46 = arith.constant 0 : index
    %get3A_47 = vector.load %arg1[%get3A_44, %get3A_45, %get3A_46] : memref<1x16x512xi32, #tpu.memory_space<vmem>>, vector<1x1x512xi32>
    %get3A_48 = vector.shape_cast %get3A_47 : vector<1x1x512xi32> to vector<512xi32>
    %convert_element_type3A_49 = arith.trunci %get3A_48 : vector<512xi32> to vector<512xi16>
    %broadcast_in_dim3A_50 = vector.shape_cast %convert_element_type3A_49 : vector<512xi16> to vector<512x1xi16>
    %le3A_51 = vector.broadcast %broadcast_in_dim3A_50 : vector<512x1xi16> to vector<512x512xi16>
    %le3A_52 = arith.cmpi sle, %le3A_51, %iota3A : vector<512x512xi16>
    %convert_element_type3A_53 = arith.extui %le3A_52 : vector<512x512xi1> to vector<512x512xi16>
    %add3A_54 = arith.addi %add3A_43, %convert_element_type3A_53 : vector<512x512xi16>
    %get3A_55 = arith.constant 0 : index
    %get3A_56 = arith.constant 5 : index
    %get3A_57 = arith.constant 0 : index
    %get3A_58 = vector.load %arg1[%get3A_55, %get3A_56, %get3A_57] : memref<1x16x512xi32, #tpu.memory_space<vmem>>, vector<1x1x512xi32>
    %get3A_59 = vector.shape_cast %get3A_58 : vector<1x1x512xi32> to vector<512xi32>
    %convert_element_type3A_60 = arith.trunci %get3A_59 : vector<512xi32> to vector<512xi16>
    %broadcast_in_dim3A_61 = vector.shape_cast %convert_element_type3A_60 : vector<512xi16> to vector<512x1xi16>
    %le3A_62 = vector.broadcast %broadcast_in_dim3A_61 : vector<512x1xi16> to vector<512x512xi16>
    %le3A_63 = arith.cmpi sle, %le3A_62, %iota3A : vector<512x512xi16>
    %convert_element_type3A_64 = arith.extui %le3A_63 : vector<512x512xi1> to vector<512x512xi16>
    %add3A_65 = arith.addi %add3A_54, %convert_element_type3A_64 : vector<512x512xi16>
    %get3A_66 = arith.constant 0 : index
    %get3A_67 = arith.constant 6 : index
    %get3A_68 = arith.constant 0 : index
    %get3A_69 = vector.load %arg1[%get3A_66, %get3A_67, %get3A_68] : memref<1x16x512xi32, #tpu.memory_space<vmem>>, vector<1x1x512xi32>
    %get3A_70 = vector.shape_cast %get3A_69 : vector<1x1x512xi32> to vector<512xi32>
    %convert_element_type3A_71 = arith.trunci %get3A_70 : vector<512xi32> to vector<512xi16>
    %broadcast_in_dim3A_72 = vector.shape_cast %convert_element_type3A_71 : vector<512xi16> to vector<512x1xi16>
    %le3A_73 = vector.broadcast %broadcast_in_dim3A_72 : vector<512x1xi16> to vector<512x512xi16>
    %le3A_74 = arith.cmpi sle, %le3A_73, %iota3A : vector<512x512xi16>
    %convert_element_type3A_75 = arith.extui %le3A_74 : vector<512x512xi1> to vector<512x512xi16>
    %add3A_76 = arith.addi %add3A_65, %convert_element_type3A_75 : vector<512x512xi16>
    %get3A_77 = arith.constant 0 : index
    %get3A_78 = arith.constant 8 : index
    %get3A_79 = arith.constant 0 : index
    %get3A_80 = vector.load %arg1[%get3A_77, %get3A_78, %get3A_79] : memref<1x16x512xi32, #tpu.memory_space<vmem>>, vector<1x1x512xi32>
    %get3A_81 = vector.shape_cast %get3A_80 : vector<1x1x512xi32> to vector<512xi32>
    %convert_element_type3A_82 = arith.trunci %get3A_81 : vector<512xi32> to vector<512xi16>
    %broadcast_in_dim3A_83 = vector.shape_cast %convert_element_type3A_82 : vector<512xi16> to vector<1x512xi16>
    %le3A_84 = vector.broadcast %broadcast_in_dim3A_83 : vector<1x512xi16> to vector<512x512xi16>
    %le3A_85 = arith.cmpi sle, %le3A_84, %iota3A_0 : vector<512x512xi16>
    %convert_element_type3A_86 = arith.extui %le3A_85 : vector<512x512xi1> to vector<512x512xi16>
    %add3A_87 = arith.addi %broadcast_in_dim3A_3, %convert_element_type3A_86 : vector<512x512xi16>
    %get3A_88 = arith.constant 0 : index
    %get3A_89 = arith.constant 9 : index
    %get3A_90 = arith.constant 0 : index
    %get3A_91 = vector.load %arg1[%get3A_88, %get3A_89, %get3A_90] : memref<1x16x512xi32, #tpu.memory_space<vmem>>, vector<1x1x512xi32>
    %get3A_92 = vector.shape_cast %get3A_91 : vector<1x1x512xi32> to vector<512xi32>
    %convert_element_type3A_93 = arith.trunci %get3A_92 : vector<512xi32> to vector<512xi16>
    %broadcast_in_dim3A_94 = vector.shape_cast %convert_element_type3A_93 : vector<512xi16> to vector<1x512xi16>
    %le3A_95 = vector.broadcast %broadcast_in_dim3A_94 : vector<1x512xi16> to vector<512x512xi16>
    %le3A_96 = arith.cmpi sle, %le3A_95, %iota3A_0 : vector<512x512xi16>
    %convert_element_type3A_97 = arith.extui %le3A_96 : vector<512x512xi1> to vector<512x512xi16>
    %add3A_98 = arith.addi %add3A_87, %convert_element_type3A_97 : vector<512x512xi16>
    %get3A_99 = arith.constant 0 : index
    %get3A_100 = arith.constant 10 : index
    %get3A_101 = arith.constant 0 : index
    %get3A_102 = vector.load %arg1[%get3A_99, %get3A_100, %get3A_101] : memref<1x16x512xi32, #tpu.memory_space<vmem>>, vector<1x1x512xi32>
    %get3A_103 = vector.shape_cast %get3A_102 : vector<1x1x512xi32> to vector<512xi32>
    %convert_element_type3A_104 = arith.trunci %get3A_103 : vector<512xi32> to vector<512xi16>
    %broadcast_in_dim3A_105 = vector.shape_cast %convert_element_type3A_104 : vector<512xi16> to vector<1x512xi16>
    %le3A_106 = vector.broadcast %broadcast_in_dim3A_105 : vector<1x512xi16> to vector<512x512xi16>
    %le3A_107 = arith.cmpi sle, %le3A_106, %iota3A_0 : vector<512x512xi16>
    %convert_element_type3A_108 = arith.extui %le3A_107 : vector<512x512xi1> to vector<512x512xi16>
    %add3A_109 = arith.addi %add3A_98, %convert_element_type3A_108 : vector<512x512xi16>
    %get3A_110 = arith.constant 0 : index
    %get3A_111 = arith.constant 11 : index
    %get3A_112 = arith.constant 0 : index
    %get3A_113 = vector.load %arg1[%get3A_110, %get3A_111, %get3A_112] : memref<1x16x512xi32, #tpu.memory_space<vmem>>, vector<1x1x512xi32>
    %get3A_114 = vector.shape_cast %get3A_113 : vector<1x1x512xi32> to vector<512xi32>
    %convert_element_type3A_115 = arith.trunci %get3A_114 : vector<512xi32> to vector<512xi16>
    %broadcast_in_dim3A_116 = vector.shape_cast %convert_element_type3A_115 : vector<512xi16> to vector<1x512xi16>
    %le3A_117 = vector.broadcast %broadcast_in_dim3A_116 : vector<1x512xi16> to vector<512x512xi16>
    %le3A_118 = arith.cmpi sle, %le3A_117, %iota3A_0 : vector<512x512xi16>
    %convert_element_type3A_119 = arith.extui %le3A_118 : vector<512x512xi1> to vector<512x512xi16>
    %add3A_120 = arith.addi %add3A_109, %convert_element_type3A_119 : vector<512x512xi16>
    %get3A_121 = arith.constant 0 : index
    %get3A_122 = arith.constant 12 : index
    %get3A_123 = arith.constant 0 : index
    %get3A_124 = vector.load %arg1[%get3A_121, %get3A_122, %get3A_123] : memref<1x16x512xi32, #tpu.memory_space<vmem>>, vector<1x1x512xi32>
    %get3A_125 = vector.shape_cast %get3A_124 : vector<1x1x512xi32> to vector<512xi32>
    %convert_element_type3A_126 = arith.trunci %get3A_125 : vector<512xi32> to vector<512xi16>
    %broadcast_in_dim3A_127 = vector.shape_cast %convert_element_type3A_126 : vector<512xi16> to vector<1x512xi16>
    %le3A_128 = vector.broadcast %broadcast_in_dim3A_127 : vector<1x512xi16> to vector<512x512xi16>
    %le3A_129 = arith.cmpi sle, %le3A_128, %iota3A_0 : vector<512x512xi16>
    %convert_element_type3A_130 = arith.extui %le3A_129 : vector<512x512xi1> to vector<512x512xi16>
    %add3A_131 = arith.addi %add3A_120, %convert_element_type3A_130 : vector<512x512xi16>
    %get3A_132 = arith.constant 0 : index
    %get3A_133 = arith.constant 13 : index
    %get3A_134 = arith.constant 0 : index
    %get3A_135 = vector.load %arg1[%get3A_132, %get3A_133, %get3A_134] : memref<1x16x512xi32, #tpu.memory_space<vmem>>, vector<1x1x512xi32>
    %get3A_136 = vector.shape_cast %get3A_135 : vector<1x1x512xi32> to vector<512xi32>
    %convert_element_type3A_137 = arith.trunci %get3A_136 : vector<512xi32> to vector<512xi16>
    %broadcast_in_dim3A_138 = vector.shape_cast %convert_element_type3A_137 : vector<512xi16> to vector<1x512xi16>
    %le3A_139 = vector.broadcast %broadcast_in_dim3A_138 : vector<1x512xi16> to vector<512x512xi16>
    %le3A_140 = arith.cmpi sle, %le3A_139, %iota3A_0 : vector<512x512xi16>
    %convert_element_type3A_141 = arith.extui %le3A_140 : vector<512x512xi1> to vector<512x512xi16>
    %add3A_142 = arith.addi %add3A_131, %convert_element_type3A_141 : vector<512x512xi16>
    %get3A_143 = arith.constant 0 : index
    %get3A_144 = arith.constant 14 : index
    %get3A_145 = arith.constant 0 : index
    %get3A_146 = vector.load %arg1[%get3A_143, %get3A_144, %get3A_145] : memref<1x16x512xi32, #tpu.memory_space<vmem>>, vector<1x1x512xi32>
    %get3A_147 = vector.shape_cast %get3A_146 : vector<1x1x512xi32> to vector<512xi32>
    %convert_element_type3A_148 = arith.trunci %get3A_147 : vector<512xi32> to vector<512xi16>
    %broadcast_in_dim3A_149 = vector.shape_cast %convert_element_type3A_148 : vector<512xi16> to vector<1x512xi16>
    %le3A_150 = vector.broadcast %broadcast_in_dim3A_149 : vector<1x512xi16> to vector<512x512xi16>
    %le3A_151 = arith.cmpi sle, %le3A_150, %iota3A_0 : vector<512x512xi16>
    %convert_element_type3A_152 = arith.extui %le3A_151 : vector<512x512xi1> to vector<512x512xi16>
    %add3A_153 = arith.addi %add3A_142, %convert_element_type3A_152 : vector<512x512xi16>
    %mul3A = arith.constant 8 : i16
    %mul3A_154 = vector.broadcast %mul3A : i16 to vector<512x512xi16>
    %mul3A_155 = arith.muli %mul3A_154, %add3A_153 : vector<512x512xi16>
    %add3A_156 = arith.addi %add3A_76, %mul3A_155 : vector<512x512xi16>
    %convert_element_type3A_157 = arith.extsi %add3A_156 : vector<512x512xi16> to vector<512x512xi32>
    %swap3A = arith.constant 0 : index
    %swap3A_158 = arith.constant 0 : index
    %swap3A_159 = arith.constant 0 : index
    %swap3A_160 = vector.load %arg2[%swap3A, %swap3A_158, %swap3A_159] : memref<1x512x512xi32, #tpu.memory_space<vmem>>, vector<1x512x512xi32>
    %swap3A_161 = vector.shape_cast %swap3A_160 : vector<1x512x512xi32> to vector<512x512xi32>
    %swap3A_162 = vector.shape_cast %convert_element_type3A_157 : vector<512x512xi32> to vector<1x512x512xi32>
    tpu.vector_store %arg2[%swap3A, %swap3A_158, %swap3A_159], %swap3A_162 {strides = array<i32>} : memref<1x512x512xi32, #tpu.memory_space<vmem>>, vector<1x512x512xi32>,
    return
  }
  func.func @transform_0(%arg0: i32) -> (i32, i32, i32) {
    %c0_i32 = arith.constant 0 : i32
    %c0_i32_0 = arith.constant 0 : i32
    %c0_i32_1 = arith.constant 0 : i32
    return %arg0, %c0_i32, %c0_i32_0 : i32, i32, i32
  }
  func.func @transform_1(%arg0: i32) -> (i32, i32, i32) {
    %c0_i32 = arith.constant 0 : i32
    %c0_i32_0 = arith.constant 0 : i32
    %c0_i32_1 = arith.constant 0 : i32
    return %arg0, %c0_i32, %c0_i32_0 : i32, i32, i32
  }
}

</mosaic_0001>

<sc_bundles>
// kernel: _run.4.cloned.1.call-start
scs
__scs_entry_jumppad:
0x0: {  	(pc) =	sbr.rel $0x88, $3  }
0x1: {  	(tag) =	ssettag $0x0;
	lr =	simm.s32 $0x1  }
0x2: {  	[smem:$0x3FA0] =	sst lr;
	_ =	strace $0xD0000000  }
0x3: {  	_ = 	snop  }
0x4: {  	_ = 	snop  }
0x5: {  	_ = 	snop  }
0x6: {  	_ = 	snop  }
0x7: {  	_ = 	snop  }
__scs_overlays_trampoline_lowered:
0x8: {  	[smem:$0x3FAF] =	sst s0  }
0x9: {  	[smem:$0x3FB0] =	sst s1  }
0xa: {  	[smem:$0x3FB1] =	sst s2  }
0xb: {  	[smem:$0x3FB2] =	sst s3  }
0xc: {  	[smem:$0x3FB3] =	sst s4  }
0xd: {  	[smem:$0x3FB4] =	sst s5  }
0xe: {  	[smem:$0x3FB5] =	sst s6  }
0xf: {  	[smem:$0x3FB6] =	sst s7  }
0x10: {  	[smem:$0x3FB7] =	sst s8  }
0x11: {  	[smem:$0x3FB8] =	sst s9;
	s0 =	simm.s32 @!p0 $0x0  }
0x12: {  	s1 =	sld [smem:$0x3F9E];
	s0 =	simm.s32 @p0 $0x1  }
0x13: {  	[smem:$0x3FB9] =	sst s0;
	s0 =	simm.s32 @!p1 $0x0  }
0x14: {  	s2 =	sld [smem:$0x3F9D];
	s0 =	simm.s32 @p1 $0x1  }
0x15: {  	[smem:$0x3FBA] =	sst s0;
	s0 =	simm.s32 @!p2 $0x0  }
0x16: {  	s3 =	sld [smem:$0x3FDB];
	s0 =	simm.s32 @p2 $0x1  }
0x17: {  	s4 =	simm.s32 $0x1BF5;
	[smem:$0x3FBC] =	sst s0  }
0x18: {  	s0 =	sld [smem:$0x3F9F];
	_ =	swait.ge [sflag:s4], $0x0  }
0x19: {  	s7 =	sld [smem:$0x3FA0]  }
0x1a: {  	s8 =	sadd.s32 $0xFFFFE003, lr  }
0x1b: {  	s9 =	sadd.s32 $0xFFFFFEF7, lr;
	s5 =	simm.s32 $0xFFFFFFFF;
	p2 =	slt.u32 s8, $0xFFFFF086  }
0x1c: {  	p1 =	slt.u32 s9, $0xF7A;
	s5 =	simm.s32 @!p2 $0x0  }
0x1d: {  	s5 =	simm.s32 @p1 $0x1;
	p0 =	seq.s32 s7, s2  }
0x1e: {  	s7 =	smul.u32 @!p0 $0xF7A, s2;
	p2 =	seq.s32 @!p0 s5, $0x0  }
0x1f: {  	s9 =	smul.u32 $0xF7A, s1;
	s8 =	simm.s32 @!p0 $0x1BF5;
	p2 =	por !p2, p0  }
0x20: {  	[sflag:s8] =	ssyncset.s32 @!p0 $0xFFFFF086;
	s6 =	sadd.s32 @!p0 s3, s7;
	s7 =	simm.s32 @!p0 $0x108  }
0x21: {  	s3 =	sadd.s32 s3, s9;
	s6 =	sadd.s32 @!p0 $0x88, s6;
	s7 =	simm.s32 @p2 $0x1082  }
0x22: {  	[simem:s7], [sflag:s8] =	dma.local @!p0 [hbm:s6], $0xF7A  }
0x23: {  	s9 =	sor.u32 $0xD0000000, s2;
	s6 =	simm.s32 $0x108;
	_ =	swait.ge @!p0 [sflag:s8], $0x0  }
0x24: {  	s3 =	sadd.s32 $0x88, s3;
	s6 =	simm.s32 @!p1 $0x1082;
	[sflag:s4] =	ssyncset.s32 $0xFFFFF086  }
0x25: {  	[simem:s6], [sflag:s4] =	dma.local [hbm:s3], $0xF7A  }
0x26: {  	[smem:$0x3FA0] =	sst s1;
	(tag) =	ssettag s2;
	_ =	strace s9  }
0x27: {  	s1 =	sld [smem:$0x3FB0]  }
0x28: {  	s2 =	sld [smem:$0x3FB1]  }
0x29: {  	s4 =	sld [smem:$0x3FB3]  }
0x2a: {  	p0 =	seq.s32 s5, $0x0;
	s5 =	sld [smem:$0x3FB4]  }
0x2b: {  	s6 =	sld [smem:$0x3FB5]  }
0x2c: {  	s7 =	sld [smem:$0x3FB6]  }
0x2d: {  	s3 =	simm.s32 $0x108;
	s8 =	sld [smem:$0x3FB7]  }
0x2e: {  	s3 =	simm.s32 @!p0 $0x1082;
	s9 =	sld [smem:$0x3FB8]  }
0x2f: {  	lr =	sadd.s32 s0, s3;
	s0 =	sld [smem:$0x3FAF]  }
0x30: {  	s3 =	sld [smem:$0x3FB2]  }
0x31: {  	[smem:$0x3FBB] =	sst s10  }
0x32: {  	s10 =	sld [smem:$0x3FB9];
	_ =	sdelay $0x3  }
0x33: {  	p0 =	seq.s32 s10, $0x1;
	s10 =	sld [smem:$0x3FBB];
	_ =	sdelay $0x3  }
0x34: {  	[smem:$0x3FBB] =	sst s10  }
0x35: {  	s10 =	sld [smem:$0x3FBA];
	_ =	sdelay $0x3  }
0x36: {  	p1 =	seq.s32 s10, $0x1;
	s10 =	sld [smem:$0x3FBB];
	_ =	sdelay $0x3  }
0x37: {  	[smem:$0x3FBB] =	sst s10  }
0x38: {  	s10 =	sld [smem:$0x3FBC]  }
0x39: {  	_ = 	snop;
	(pc) =	sbr.ind lr, $3  }
0x3a: {  	_ = 	snop  }
0x3b: {  	_ = 	snop  }
0x3c: {  	p2 =	seq.s32 s10, $0x1;
	s10 =	sld [smem:$0x3FBB]  }
0x3d: {  	_ =	shalt  }
0x3e: {  	_ =	shalt  }
0x3f: {  	_ =	shalt  }
0x40: {  	_ =	shalt  }
0x41: {  	_ =	shalt  }
0x42: {  	_ =	shalt  }
0x43: {  	_ =	shalt  }
0x44: {  	_ =	shalt  }
0x45: {  	_ =	shalt  }
0x46: {  	_ =	shalt  }
0x47: {  	_ =	shalt  }
0x48: {  	_ =	shalt  }
0x49: {  	_ =	shalt  }
0x4a: {  	_ =	shalt  }
0x4b: {  	_ =	shalt  }
0x4c: {  	_ =	shalt  }
0x4d: {  	_ =	shalt  }
0x4e: {  	_ =	shalt  }
0x4f: {  	_ =	shalt  }
0x50: {  	_ =	shalt  }
0x51: {  	_ =	shalt  }
0x52: {  	_ =	shalt  }
0x53: {  	_ =	shalt  }
0x54: {  	_ =	shalt  }
0x55: {  	_ =	shalt  }
0x56: {  	_ =	shalt  }
0x57: {  	_ =	shalt  }
0x58: {  	_ =	shalt  }
0x59: {  	_ =	shalt  }
0x5a: {  	_ =	shalt  }
0x5b: {  	_ =	shalt  }
0x5c: {  	_ =	shalt  }
0x5d: {  	_ =	shalt  }
0x5e: {  	_ =	shalt  }
0x5f: {  	_ =	shalt  }
0x60: {  	_ =	shalt  }
0x61: {  	_ =	shalt  }
0x62: {  	_ =	shalt  }
0x63: {  	_ =	shalt  }
0x64: {  	_ =	shalt  }
0x65: {  	_ =	shalt  }
0x66: {  	_ =	shalt  }
0x67: {  	_ =	shalt  }
0x68: {  	_ =	shalt  }
0x69: {  	_ =	shalt  }
0x6a: {  	_ =	shalt  }
0x6b: {  	_ =	shalt  }
0x6c: {  	_ =	shalt  }
0x6d: {  	_ =	shalt  }
0x6e: {  	_ =	shalt  }
0x6f: {  	_ =	shalt  }
0x70: {  	_ =	shalt  }
0x71: {  	_ =	shalt  }
0x72: {  	_ =	shalt  }
0x73: {  	_ =	shalt  }
0x74: {  	_ =	shalt  }
0x75: {  	_ =	shalt  }
0x76: {  	_ =	shalt  }
0x77: {  	_ =	shalt  }
0x78: {  	_ =	shalt  }
0x79: {  	_ =	shalt  }
0x7a: {  	_ =	shalt  }
0x7b: {  	_ =	shalt  }
0x7c: {  	_ =	shalt  }
0x7d: {  	_ =	shalt  }
0x7e: {  	_ =	shalt  }
0x7f: {  	_ =	shalt  }
0x80: {  	_ =	shalt  }
0x81: {  	_ =	shalt  }
0x82: {  	_ =	shalt  }
0x83: {  	_ =	shalt  }
0x84: {  	_ =	shalt  }
0x85: {  	_ =	shalt  }
0x86: {  	_ =	shalt  }
0x87: {  	_ =	shalt  }
.Lfunc_end0:
.L_simem_size_0:
called_computation_lowered:
.L_overlay_start_0:
0x88: {  	s2 =	sld [smem:$0x3FD9]  }
0x89: {  	s3 =	sld [smem:$0x3FFE];
	_ =	sdelay $0x1  }
0x8a: {  	s1 =	srdreg.scid  }
0x8b: {  	s0 =	sand.u32 $0x1, s1  }
0x8c: {  	s17 =	sshll.u32 s0, $0xA;
	s2 =	sadd.s32 s3, s2  }
0x8d: {  	s2 =	sadd.s32 s2, s17  }
0x8e: {  	[smem:$0x3FC7] =	sst s2  }
0x8f: {  	_ = 	snop  }
0x90: {  	s2 =	sld [smem:$0x3FD0];
	(tm) =	ssettm $0x1  }
0x91: {  	s18 =	sld [smem:$0x3FFB];
	_ =	sdelay $0x3  }
0x92: {  	_ =	strace s18  }
0x93: {  	s3 =	sld [smem:$0x3FFC];
	_ =	sdelay $0x3  }
0x94: {  	_ =	strace s3  }
0x95: {  	s3 =	sld [smem:$0x3FFD];
	_ =	sdelay $0x3  }
0x96: {  	_ =	strace s3  }
0x97: {  	_ =	strace $0x8FFFFFFF  }
0x98: {  	s19 =	sld [smem:$0x3FDB];
	_ =	sdelay $0x1  }
0x99: {  	s4 =	simm.s32 $_scs_section_size  }
0x9a: {  	s5 =	simm.s32 $_size__tile_overlayer_lowered;
	s6 =	simm.s32 $_tile_overlayer_lowered  }
0x9b: {  	s22 =	simm.s32 $0x1BFF;
	s21 =	sshll.u32 s6, $0x1;
	s3 =	sadd.s32 s4, s19  }
0x9c: {  	s7 =	simm.s32 $0x0;
	s20 =	sshll.u32 s5, $0x1;
	s5 =	sadd.s32 s21, s3  }
0x9d: {  	[timem:s7], [sflag:s22] =	dma.local [hbm:s5], s20  }
0x9e: {  	_ =	swait.ge [sflag:s22], s20  }
0x9f: {  	s4 =	ssub.s32 $0x0, s20;
	[sflag:s22] =	ssyncset.done $0x0  }
0xa0: {  	[sflag:s22] =	ssyncadd.s32 s4;
	_ =	sdelay $0x1  }
0xa1: {  	s23 =	simm.s32 $0x1B8B  }
0xa2: {  	_ =	swait.ge [sflag:s23], $0x1  }
0xa3: {  	[sflag:s23] =	ssyncset.done $0x0  }
0xa4: {  	s25 =	simm.s32 $0x1B8E;
	s24 =	sld [smem:$0x3FFE];
	[sflag:s23] =	ssyncadd.s32 $0xFFFFFFFF  }
0xa5: {  	s26 =	simm.s32 $execute0_lowered;
	[smem:$0x3FD2] =	sst s25  }
0xa6: {  	s5 =	sshll.u32 s26, $0x1;
	_ =	strace $0x80000046;
	[dreg:$0x1] =	wrdreg $0xFFFFFFFF  }
0xa7: {  	s28 =	simm.s32 $_size_execute0_lowered;
	s3 =	sadd.s32 s3, s5;
	[dreg:$0x0] =	wrdreg $0x0  }
0xa8: {  	s5 =	sshll.u32 s28, $0x1;
	[dreg:$0x2] =	wrdreg s3  }
0xa9: {  	[dreg:$0x3] =	wrdreg s5  }
0xaa: {  	[dreg:$0x4] =	wrdreg $0xC0  }
0xab: {  	_ =	task [dreg:s7], $0x5FFFF  }
0xac: {  	[dreg:$0x1] =	wrdreg $0xFFFFFFFF  }
0xad: {  	[dreg:$0x0] =	wrdreg $0x60  }
0xae: {  	[dreg:$0x2] =	wrdreg s2  }
0xaf: {  	[dreg:$0x3] =	wrdreg s24  }
0xb0: {  	[dreg:$0x4] =	wrdreg $0x9  }
0xb1: {  	_ =	task.clear_ibuf [dreg:s7], $0x5FFFF;
	_ =	strace $0x90000046  }
0xb2: {  	s29 =	simm.s32 $0x9;
	_ =	strace $0x80000048  }
0xb3: {  	_ =	swait.ge [sflag:s29], $0x1  }
0xb4: {  	[sflag:s29] =	ssyncadd.s32 $0xFFFFFFFF  }
0xb5: {  	_ =	strace $0x90000048  }
0xb6: {  	_ =	sfence  }
0xb7: {  	s30 =	sld [smem:$0x0];
	_ =	sdelay $0x2  }
0xb8: {  	s31 =	sshll.u32 s1, $0xD;
	s1 =	sshrl.u32 s1, $0x2  }
0xb9: {  	s3 =	sand.u32 $0x4000, s31;
	s1 =	sadd.s32 s1, s30  }
0xba: {  	s0 =	sor.u32 s3, s0;
	s1 =	sshll.u32 s1, $0x11  }
0xbb: {  	s0 =	sor.u32 s1, s0  }
0xbc: {  	s0 =	sadd.s32 $0x8F2B, s0  }
0xbd: {  	[sflag:s0] =	ssyncadd.remote.s32 $0x1  }
0xbe: {  	_ =	sfence.sel $0xFFFF  }
0xbf: {  	[dreg:$0x0] =	wrdreg $0xFFFFFFFF;
	(pc) =	sbr.abs _section_cstart, $3  }
0xc0: {  	[dreg:$0x1] =	wrdreg $0xFFFFFFFF  }
0xc1: {  	_ =	task.clear_ibuf [dreg:s7], $0x2FFFF;
	_ =	strace $0x9FFFFFFF  }
0xc2: {  	(tm) =	ssettm $0x7FFFFFFF  }
0xc3: {  	_ =	shalt  }
tec
execute0_lowered:
.L_overlay_start_1:
0x0: {  	(tag) =	ssettag $0x1  }
0x1: {  	s2 =	stileid.u32  }
0x2: {  	s1 =	srdreg.scid;
	s3 =	sshll.u32 s2, $0x1  }
0x3: {  	s1 =	sand.u32 $0x1, s1;
	s3 =	sand.u32 $0x6, s3  }
0x4: {  	s3 =	sor.u32 s1, s3  }
0x5: {  	p0 =	seq.s32 s3, $0x7  }
.Ltmp0:
0x6: {  	_ = 	snop;
	(pc) =	sbr.rel @p0 .LBB2_10-.Ltmp0, $4  }
0x7: {  	_ = 	snop  }
0x8: {  	s0 =	rddreg [dreg:$0x0];
	s4 =	simm.s32 $0x0  }
0x9: {  	[smem:$0x7FF] =	sst s4  }
0xa: {  	s2 =	rddreg [dreg:$0x1];
	_ =	strace $0x80000047  }
0xb: {  	v0 =	vimm.s32 $0xFFEDCBA9;
	v1 =	vimm.s32 $0x87654321;
	v2 =	vimm.s32 $0xEDCBA987  }
0xc: {  	s4 =	stileid.u32;
	v3 =	vimm.s32 $0x65432100;
	s3 =	sshll.u32 s3, $0x6;
	vm0 =	vcmask $0xB38;
	vm4 =	vcmask $0xF0C  }
0xd: {  	s1 =	ssub.s32 $0x2, s1;
	vm5 =	vcmask $0x1310;
	vm6 =	vcmask $0x1714;
	vm7 =	vcmask $0x1B18;
	s4 =	sshrl.u32 s4, $0x2;
	s28 =	sor.u32 $0x38, s3  }
0xe: {  	vm8 =	vcmask $0x1F1C;
	vm9 =	vcmask $0x2320;
	vm10 =	vcmask $0x2724;
	s25 =	sshrl.u32 s1, $0x1;
	s5 =	sshll.u32 s4, $0xA;
	s23 =	sshll.u32 s4, $0x12  }
0xf: {  	v0 =	vunpack.c.l.s4.s8 v0;
	v1 =	vunpack.c.l.s4.s8 v1;
	v2 =	vunpack.c.l.s4.s8 v2;
	s24 =	sshll.u32 s28, $0x9;
	s1 =	ssub.s32 s1, s25;
	s5 =	sor.u32 s5, s3  }
0x10: {  	vm11 =	vcmask $0x2B28;
	vm12 =	vcmask $0x2F2C;
	v3 =	vunpack.c.l.s4.s8 v3;
	s6 =	sor.u32 s23, s28;
	s31 =	smax.u32 s1, $0x1;
	s2 =	sadd.s32 s5, s2  }
0x11: {  	v0 =	vunpack.c.0.s8.s32 v0;
	v1 =	vunpack.c.0.s8.s32 v1;
	v2 =	vunpack.c.0.s8.s32 v2;
	[dreg:$0x12] =	wrdreg s31;
	s22 =	sadd.s32 $0x400, s2;
	s2 =	sadd.s32 $0x600, s2  }
0x12: {  	vm13 =	vcmask $0x3330;
	vm14 =	vcmask $0x3734;
	v3 =	vunpack.c.0.s8.s32 v3;
	s26 =	sshrl.u32 s6, $0x3;
	[dreg:$0xf] =	wrdreg s2;
	s2 =	sor.u32 s23, s24  }
0x13: {  	v1 =	vcombine.low v1, v0;
	v0 =	vand.u32 $0xF, v2;
	v2 =	vlaneseq.u32;
	s29 =	sadd.s32 s0, s26;
	[dreg:$0xe] =	wrdreg s22;
	s2 =	sshrl.u32 s2, $0x3  }
0x14: {  	vm15 =	vcmask $0x3B38;
	v0 =	vcombine.low v3, v0;
	v3 =	vadd.s32 $0x1, v2;
	[dreg:$0x10] =	wrdreg s29;
	s30 =	sadd.s32 s0, s2  }
0x15: {  	s13 =	simm.s32 $0x4000;
	s1 =	simm.s32 $0x0;
	v4 =	vadd.s32 $0xFFFFFFFF, v2;
	v5 =	vmul.u32 $0x201, v2;
	v1 =	vand.u32 $0xF, v1;
	[dreg:$0x11] =	wrdreg s30  }
.LBB2_2:
0x16: {  	[dreg:$0x13] =	wrdreg s1  }
0x17: {  	s20 =	rddreg [dreg:$0x11]  }
0x18: {  	s0 =	simm.s32 $0x0;
	s2 =	simm.s32 $0x2000;
	s21 =	rddreg [dreg:$0x10]  }
0x19: {  	s22 =	simm.s32 $0x10;
	s3 =	simm.s32 $0x200;
	s23 =	simm.s32 $0x2  }
0x1a: {  	s1 =	simm.s32 $0x1C0;
	s4 =	simm.s32 $0x0;
	s5 =	simm.s32 $0x0  }
0x1b: {  	s7 =	simm.s32 $0x40;
	s8 =	simm.s32 $0x80;
	s9 =	simm.s32 $0xC0  }
0x1c: {  	s10 =	simm.s32 $0x100;
	s11 =	simm.s32 $0x140;
	s12 =	simm.s32 $0x180  }
0x1d: {  	[tilespmem:s2], [sflag:$0x2] =	stream.linear.gather [hbm4b:s20+s0], $0x2000, $0x38;
	[tilespmem:$0xE480] =	vst v63  }
0x1e: {  	s2 =	simm.s32 $0x0;
	s4 =	sand.u32 $0x3FFFFE00, s4;
	s6 =	sand.u32 $0x7C0, s1  }
0x1f: {  	[tilespmem:s0], [sflag:$0x1] =	stream.strided.gather [hbm4b:s21+s22], $0x2000, s3, s22, $0x38;
	[tilespmem:$0xE480] =	vst v63  }
0x20: {  	s14 =	sand.u32 $0x600, s5;
	s7 =	sand.u32 $0x640, s7;
	_ =	swait.ge [sflag:s23], $0x2000  }
0x21: {  	s4 =	sadd.s32 $0x2000, s4;
	s6 =	sshrl.u32 s6, $0x2;
	[sflag:s23] =	ssyncset.done $0x0  }
0x22: {  	s8 =	sand.u32 $0x680, s8;
	s6 =	sor.u32 s6, s4;
	[sflag:s23] =	ssyncadd.s32 $0xFFFFE000  }
0x23: {  	s24 =	sand.u32 $0x6C0, s9;
	s25 =	sand.u32 $0x700, s10;
	s26 =	sand.u32 $0x740, s11;
	v6 =	vld [tilespmem:s6+$0x0]  }
0x24: {  	s5 =	simm.s32 $0x70;
	s12 =	sand.u32 $0x780, s12;
	s29 =	sshrl.u32 s14, $0x2  }
0x25: {  	s30 =	sshrl.u32 s7, $0x2;
	s8 =	sshrl.u32 s8, $0x2;
	s15 =	sshrl.u32 s25, $0x2  }
0x26: {  	s16 =	sshrl.u32 s26, $0x2;
	s7 =	sshrl.u32 s12, $0x2;
	s31 =	sor.u32 s29, s4  }
0x27: {  	s11 =	sor.u32 s30, s4;
	s10 =	sor.u32 s8, s4;
	s6 =	sshrl.u32 s24, $0x2  }
0x28: {  	s8 =	sor.u32 s15, s4;
	s9 =	sor.u32 s6, s4;
	s6 =	sor.u32 s16, s4;
	[tilespmem:s5+$0x4000] =	vst v6;
	v6 =	vld [tilespmem:s31+$0x0]  }
.LBB2_3:
0x29: {  	s2 =	sadd.s32 $0x8, s2  }
0x2a: {  	v7 =	vld [tilespmem:s11+$0x0];
	s7 =	sor.u32 s7, s4;
	s11 =	smov.u32 s5;
	s1 =	sadd.s32 $0x200, s1  }
0x2b: {  	s0 =	sadd.s32 $0x8, s0;
	s4 =	sshll.u32 s2, $0x4;
	p0 =	slt.u32 s2, $0x1F8;
	v8 =	vld [tilespmem:s10+$0x0]  }
0x2c: {  	s5 =	sadd.s32 $0xFFFFFE40, s1;
	s10 =	sand.u32 $0x7C0, s1;
	s4 =	sand.u32 $0x3FFFFE00, s4;
	v9 =	vld [tilespmem:s9+$0x0]  }
0x2d: {  	s9 =	sadd.s32 $0xFFFFFE80, s1;
	s10 =	sshrl.u32 s10, $0x2;
	s4 =	sadd.s32 $0x2000, s4;
	v10 =	vld [tilespmem:s8+$0x0]  }
0x2e: {  	s12 =	sadd.s32 $0xFFFFFF00, s1;
	s8 =	sadd.s32 $0xFFFFFEC0, s1;
	s10 =	sor.u32 s10, s4;
	[tilespmem:s11+$0x3F90] =	vst v6;
	v6 =	vld [tilespmem:s6+$0x0]  }
0x2f: {  	s14 =	sadd.s32 $0xFFFFFF80, s1;
	s15 =	sadd.s32 $0xFFFFFFC0, s1;
	s6 =	sadd.s32 $0xFFFFFF40, s1;
	v11 =	vld [tilespmem:s10+$0x0];
	[tilespmem:s11+$0x3FA0] =	vst v7  }
0x30: {  	s9 =	sand.u32 $0x640, s9;
	s8 =	sand.u32 $0x680, s8;
	s10 =	sand.u32 $0x600, s5;
	[tilespmem:s11+$0x3FB0] =	vst v8;
	v7 =	vld [tilespmem:s7+$0x0]  }
0x31: {  	s14 =	sand.u32 $0x740, s14;
	s6 =	sand.u32 $0x700, s6;
	s7 =	sand.u32 $0x6C0, s12;
	[tilespmem:s11+$0x3FC0] =	vst v9  }
0x32: {  	s5 =	sshrl.u32 s0, $0x5;
	s12 =	sshra.s32 s1, $0x2;
	s10 =	sshrl.u32 s10, $0x2;
	[tilespmem:s11+$0x3FD0] =	vst v10  }
.Ltmp1:
0x33: {  	s5 =	sadd.s32 s12, s5;
	s12 =	sand.u32 $0x780, s15;
	[tilespmem:s11+$0x3FE0] =	vst v6;
	(pc) =	sbr.rel @p0 .LBB2_3-.Ltmp1, $4  }
0x34: {  	s9 =	sshrl.u32 s9, $0x2;
	s8 =	sshrl.u32 s8, $0x2;
	s15 =	sshrl.u32 s7, $0x2;
	[tilespmem:s5+$0x4000] =	vst v11  }
0x35: {  	s14 =	sshrl.u32 s14, $0x2;
	s6 =	sshrl.u32 s6, $0x2;
	s7 =	sshrl.u32 s12, $0x2;
	[tilespmem:s11+$0x3FF0] =	vst v7  }
0x36: {  	s12 =	sor.u32 s10, s4;
	s10 =	sor.u32 s8, s4;
	s11 =	sor.u32 s9, s4  }
0x37: {  	s8 =	sor.u32 s6, s4;
	s6 =	sor.u32 s14, s4;
	s9 =	sor.u32 s15, s4;
	v6 =	vld [tilespmem:s12+$0x0]  }
0x38: {  	v7 =	vld [tilespmem:s11+$0x0]  }
0x39: {  	v8 =	vld [tilespmem:s10+$0x0]  }
0x3a: {  	v9 =	vld [tilespmem:s9+$0x0]  }
0x3b: {  	v10 =	vld [tilespmem:s8+$0x0]  }
0x3c: {  	s0 =	sor.u32 s7, s4;
	v11 =	vld [tilespmem:s6+$0x0];
	[tilespmem:s5+$0x3F90] =	vst v6  }
0x3d: {  	[tilespmem:s5+$0x3FA0] =	vst v7;
	v7 =	vld [tilespmem:s0+$0x0]  }
0x3e: {  	[tilespmem:s5+$0x3FB0] =	vst v8  }
0x3f: {  	[tilespmem:s5+$0x3FC0] =	vst v9  }
0x40: {  	v6 =	vlaneseq.u32;
	[tilespmem:s5+$0x3FD0] =	vst v10  }
0x41: {  	[tilespmem:s5+$0x3FE0] =	vst v11;
	v8 =	vmul.u32 $0x201, v6  }
0x42: {  	s18 =	simm.s32 $0x1;
	[tilespmem:s5+$0x3FF0] =	vst v7  }
0x43: {  	_ =	swait.ge [sflag:s18], $0x2000  }
0x44: {  	[sflag:s18] =	ssyncset.done $0x0  }
0x45: {  	[sflag:s18] =	ssyncadd.s32 $0xFFFFE000  }
0x46: {  	v7 =	vld [tilespmem:$0x0]  }
0x47: {  	v8 =	vld.idx.msk [tilespmem:v8+s13+$0x0], $0xffff;
	_ =	sdelay $0x4  }
0x48: {  	v7 =	vsub.f32 $0.0e+00, v7;
	v8 =	vsub.f32 $0.0e+00, v8  }
0x49: {  	s19 =	simm.s32 $0xA0B0;
	s20 =	simm.s32 $0x80A0  }
0x4a: {  	s21 =	simm.s32 $0xC0C0;
	s22 =	simm.s32 $0x80;
	s23 =	simm.s32 $0x6090;
	v7 =	vsel vm0, $0x7F800000, v7;
	v9 =	vsel vm0, $0x7F800000, v8;
	v8 =	vlaneseq.u32  }
.LBB2_5:
0x4b: {  	v11 =	vperm.xlane v7, v1  }
0x4c: {  	v10 =	vperm.xlane v7, v0  }
0x4d: {  	vm3 =	vmmov vm0;
	v12 =	vperm.xlane v9, v1;
	vm1 =	vle.f32 v7, v11  }
0x4e: {  	vm0 =	vle.f32 v10, v7;
	vm2 =	vle.f32 v10, v11;
	vm1 =	vmneg vm1  }
0x4f: {  	v14 =	vperm.xlane v9, v0;
	vm0 =	vmand vm0, vm2;
	v13 =	vsel vm1, v3, v2  }
0x50: {  	v13 =	vsel vm0, v4, v13;
	vm0 =	vle.f32 v9, v12  }
0x51: {  	vm2 =	vle.f32 v14, v12;
	vm1 =	vle.f32 v14, v9;
	vm0 =	vmneg vm0  }
0x52: {  	vm1 =	vmand vm1, vm2;
	vm2 =	vgt.s32 v13, $0x0;
	v15 =	vsel vm0, v3, v2  }
0x53: {  	v16 =	vnsel vm2, $0x0, v13;
	v15 =	vsel vm1, v4, v15  }
0x54: {  	v8 =	vperm.xlane v8, v16;
	vm0 =	vgt.s32 v15, $0x0  }
0x55: {  	[tilespmem:s23+$0xFFFFFF90] =	vst v13;
	v61 =	vnsel vm0, $0x0, v15  }
0x56: {  	[tilespmem:s19+$0xFFFFFF90] =	vst v8;
	v6 =	vperm.xlane v6, v61  }
0x57: {  	v8 =	vadd.s32 s18, v5;
	[tilespmem:s20+$0xFFFFFF90] =	vst v15  }
0x58: {  	[tilespmem:s21+$0xFFFFFF90] =	vst v6  }
0x59: {  	v6 =	vld [tilespmem:s22+$0xFFFFFF90];
	_ =	sdelay $0x2  }
0x5a: {  	v7 =	vmin.f32 v10, v7;
	v8 =	vld.idx.msk [tilespmem:v8+s13+$0x0], $0xffff  }
0x5b: {  	v7 =	vmin.f32 v7, v11  }
0x5c: {  	v6 =	vsub.f32 v7, v6  }
0x5d: {  	v7 =	vmin.f32 v14, v9  }
0x5e: {  	v7 =	vmin.f32 v7, v12;
	v6 =	vsel vm3, $0x7F800000, v6  }
0x5f: {  	v7 =	vsub.f32 v7, v8;
	v8 =	vperm.xlane v6, v0;
	v9 =	vperm.xlane v6, v1;
	_ =	sdelay $0x1  }
0x60: {  	v7 =	vsel vm3, $0x7F800000, v7;
	vm0 =	vle.f32 v8, v6;
	vm1 =	vle.f32 v6, v9  }
0x61: {  	vm2 =	vle.f32 v8, v9;
	v10 =	vperm.xlane v7, v1;
	vm1 =	vmneg vm1  }
0x62: {  	v62 =	vperm.xlane v7, v0;
	vm0 =	vmand vm0, vm2;
	v11 =	vsel vm1, v3, v2  }
0x63: {  	v11 =	vsel vm0, v4, v11;
	vm0 =	vle.f32 v7, v10  }
0x64: {  	vm1 =	vle.f32 v62, v7;
	vm2 =	vle.f32 v62, v10;
	vm0 =	vmneg vm0  }
0x65: {  	vm1 =	vmand vm1, vm2;
	vm2 =	vgt.s32 v11, $0x0;
	v63 =	vsel vm0, v3, v2  }
0x66: {  	v20 =	vnsel vm2, $0x0, v11;
	v14 =	vsel vm1, v4, v63  }
0x67: {  	v13 =	vperm.xlane v13, v20;
	vm0 =	vgt.s32 v14, $0x0  }
0x68: {  	s0 =	sadd.s32 $0x1, s18;
	[tilespmem:s23+$0xFFFFFFA0] =	vst v11;
	v21 =	vnsel vm0, $0x0, v14  }
0x69: {  	v23 =	vadd.s32 s0, v5;
	[tilespmem:s19+$0xFFFFFFA0] =	vst v13;
	v22 =	vperm.xlane v15, v21  }
0x6a: {  	[tilespmem:s20+$0xFFFFFFA0] =	vst v14  }
0x6b: {  	[tilespmem:s21+$0xFFFFFFA0] =	vst v22  }
0x6c: {  	v13 =	vld [tilespmem:s22+$0xFFFFFFA0];
	_ =	sdelay $0x1  }
0x6d: {  	v6 =	vmin.f32 v8, v6;
	v8 =	vld.idx.msk [tilespmem:v23+s13+$0x0], $0xffff;
	_ =	sdelay $0x1  }
0x6e: {  	v6 =	vmin.f32 v6, v9  }
0x6f: {  	v7 =	vmin.f32 v62, v7;
	v6 =	vsub.f32 v6, v13  }
0x70: {  	v7 =	vmin.f32 v7, v10  }
0x71: {  	v7 =	vsub.f32 v7, v8;
	v6 =	vsel vm3, $0x7F800000, v6  }
0x72: {  	v9 =	vperm.xlane v6, v1  }
0x73: {  	v7 =	vsel vm3, $0x7F800000, v7;
	v8 =	vperm.xlane v6, v0  }
0x74: {  	v10 =	vperm.xlane v7, v1;
	vm1 =	vle.f32 v6, v9  }
0x75: {  	vm0 =	vle.f32 v8, v6;
	vm2 =	vle.f32 v8, v9;
	vm1 =	vmneg vm1  }
0x76: {  	v25 =	vperm.xlane v7, v0;
	vm0 =	vmand vm0, vm2;
	v24 =	vsel vm1, v3, v2  }
0x77: {  	v12 =	vsel vm0, v4, v24;
	vm0 =	vle.f32 v7, v10  }
0x78: {  	vm2 =	vle.f32 v25, v10;
	vm1 =	vle.f32 v25, v7;
	vm0 =	vmneg vm0  }
0x79: {  	vm1 =	vmand vm1, vm2;
	vm2 =	vgt.s32 v12, $0x0;
	v26 =	vsel vm0, v3, v2  }
0x7a: {  	v27 =	vnsel vm2, $0x0, v12;
	v15 =	vsel vm1, v4, v26  }
0x7b: {  	v11 =	vperm.xlane v11, v27;
	vm0 =	vgt.s32 v15, $0x0  }
0x7c: {  	s9 =	sadd.s32 $0x2, s18;
	[tilespmem:s23+$0xFFFFFFB0] =	vst v12;
	v28 =	vnsel vm0, $0x0, v15  }
0x7d: {  	v29 =	vadd.s32 s9, v5;
	[tilespmem:s19+$0xFFFFFFB0] =	vst v11;
	v11 =	vperm.xlane v14, v28  }
0x7e: {  	[tilespmem:s20+$0xFFFFFFB0] =	vst v15  }
0x7f: {  	[tilespmem:s21+$0xFFFFFFB0] =	vst v11  }
0x80: {  	v11 =	vld [tilespmem:s22+$0xFFFFFFB0];
	_ =	sdelay $0x1  }
0x81: {  	v6 =	vmin.f32 v8, v6;
	v8 =	vld.idx.msk [tilespmem:v29+s13+$0x0], $0xffff;
	_ =	sdelay $0x1  }
0x82: {  	v6 =	vmin.f32 v6, v9  }
0x83: {  	v7 =	vmin.f32 v25, v7;
	v6 =	vsub.f32 v6, v11  }
0x84: {  	v7 =	vmin.f32 v7, v10  }
0x85: {  	v7 =	vsub.f32 v7, v8;
	v6 =	vsel vm3, $0x7F800000, v6  }
0x86: {  	v9 =	vperm.xlane v6, v1  }
0x87: {  	v7 =	vsel vm3, $0x7F800000, v7;
	v8 =	vperm.xlane v6, v0  }
0x88: {  	v10 =	vperm.xlane v7, v1;
	vm1 =	vle.f32 v6, v9  }
0x89: {  	vm0 =	vle.f32 v8, v6;
	vm2 =	vle.f32 v8, v9;
	vm1 =	vmneg vm1  }
0x8a: {  	v30 =	vperm.xlane v7, v0;
	vm0 =	vmand vm0, vm2;
	v11 =	vsel vm1, v3, v2  }
0x8b: {  	v11 =	vsel vm0, v4, v11;
	vm0 =	vle.f32 v7, v10  }
0x8c: {  	vm2 =	vle.f32 v30, v10;
	vm1 =	vle.f32 v30, v7;
	vm0 =	vmneg vm0  }
0x8d: {  	vm1 =	vmand vm1, vm2;
	vm2 =	vgt.s32 v11, $0x0;
	v31 =	vsel vm0, v3, v2  }
0x8e: {  	v32 =	vnsel vm2, $0x0, v11;
	v14 =	vsel vm1, v4, v31  }
0x8f: {  	v12 =	vperm.xlane v12, v32;
	vm0 =	vgt.s32 v14, $0x0  }
0x90: {  	s10 =	sadd.s32 $0x3, s18;
	[tilespmem:s23+$0xFFFFFFC0] =	vst v11;
	v33 =	vnsel vm0, $0x0, v14  }
0x91: {  	v35 =	vadd.s32 s10, v5;
	[tilespmem:s19+$0xFFFFFFC0] =	vst v12;
	v34 =	vperm.xlane v15, v33  }
0x92: {  	[tilespmem:s20+$0xFFFFFFC0] =	vst v14  }
0x93: {  	[tilespmem:s21+$0xFFFFFFC0] =	vst v34  }
0x94: {  	v12 =	vld [tilespmem:s22+$0xFFFFFFC0];
	_ =	sdelay $0x1  }
0x95: {  	v6 =	vmin.f32 v8, v6;
	v8 =	vld.idx.msk [tilespmem:v35+s13+$0x0], $0xffff;
	_ =	sdelay $0x1  }
0x96: {  	v6 =	vmin.f32 v6, v9  }
0x97: {  	v7 =	vmin.f32 v30, v7;
	v6 =	vsub.f32 v6, v12  }
0x98: {  	v7 =	vmin.f32 v7, v10  }
0x99: {  	v7 =	vsub.f32 v7, v8;
	v6 =	vsel vm3, $0x7F800000, v6  }
0x9a: {  	v9 =	vperm.xlane v6, v1  }
0x9b: {  	v7 =	vsel vm3, $0x7F800000, v7;
	v8 =	vperm.xlane v6, v0  }
0x9c: {  	v10 =	vperm.xlane v7, v1;
	vm1 =	vle.f32 v6, v9  }
0x9d: {  	vm0 =	vle.f32 v8, v6;
	vm2 =	vle.f32 v8, v9;
	vm1 =	vmneg vm1  }
0x9e: {  	v37 =	vperm.xlane v7, v0;
	vm0 =	vmand vm0, vm2;
	v36 =	vsel vm1, v3, v2  }
0x9f: {  	v12 =	vsel vm0, v4, v36;
	vm0 =	vle.f32 v7, v10  }
0xa0: {  	vm2 =	vle.f32 v37, v10;
	vm1 =	vle.f32 v37, v7;
	vm0 =	vmneg vm0  }
0xa1: {  	vm1 =	vmand vm1, vm2;
	vm2 =	vgt.s32 v12, $0x0;
	v38 =	vsel vm0, v3, v2  }
0xa2: {  	v39 =	vnsel vm2, $0x0, v12;
	v15 =	vsel vm1, v4, v38  }
0xa3: {  	v11 =	vperm.xlane v11, v39;
	vm0 =	vgt.s32 v15, $0x0  }
0xa4: {  	s11 =	sadd.s32 $0x4, s18;
	[tilespmem:s23+$0xFFFFFFD0] =	vst v12;
	v40 =	vnsel vm0, $0x0, v15  }
0xa5: {  	v41 =	vadd.s32 s11, v5;
	[tilespmem:s19+$0xFFFFFFD0] =	vst v11;
	v11 =	vperm.xlane v14, v40  }
0xa6: {  	[tilespmem:s20+$0xFFFFFFD0] =	vst v15  }
0xa7: {  	[tilespmem:s21+$0xFFFFFFD0] =	vst v11  }
0xa8: {  	v11 =	vld [tilespmem:s22+$0xFFFFFFD0];
	_ =	sdelay $0x1  }
0xa9: {  	v6 =	vmin.f32 v8, v6;
	v8 =	vld.idx.msk [tilespmem:v41+s13+$0x0], $0xffff;
	_ =	sdelay $0x1  }
0xaa: {  	v6 =	vmin.f32 v6, v9  }
0xab: {  	v7 =	vmin.f32 v37, v7;
	v6 =	vsub.f32 v6, v11  }
0xac: {  	v7 =	vmin.f32 v7, v10  }
0xad: {  	v7 =	vsub.f32 v7, v8;
	v6 =	vsel vm3, $0x7F800000, v6  }
0xae: {  	v9 =	vperm.xlane v6, v1  }
0xaf: {  	v7 =	vsel vm3, $0x7F800000, v7;
	v8 =	vperm.xlane v6, v0  }
0xb0: {  	v10 =	vperm.xlane v7, v1;
	vm1 =	vle.f32 v6, v9  }
0xb1: {  	vm0 =	vle.f32 v8, v6;
	vm2 =	vle.f32 v8, v9;
	vm1 =	vmneg vm1  }
0xb2: {  	v42 =	vperm.xlane v7, v0;
	vm0 =	vmand vm0, vm2;
	v11 =	vsel vm1, v3, v2  }
0xb3: {  	v11 =	vsel vm0, v4, v11;
	vm0 =	vle.f32 v7, v10  }
0xb4: {  	vm2 =	vle.f32 v42, v10;
	vm1 =	vle.f32 v42, v7;
	vm0 =	vmneg vm0  }
0xb5: {  	vm1 =	vmand vm1, vm2;
	vm2 =	vgt.s32 v11, $0x0;
	v43 =	vsel vm0, v3, v2  }
0xb6: {  	v44 =	vnsel vm2, $0x0, v11;
	v14 =	vsel vm1, v4, v43  }
0xb7: {  	v12 =	vperm.xlane v12, v44;
	vm0 =	vgt.s32 v14, $0x0  }
0xb8: {  	s12 =	sadd.s32 $0x5, s18;
	[tilespmem:s23+$0xFFFFFFE0] =	vst v11;
	v45 =	vnsel vm0, $0x0, v14  }
0xb9: {  	v47 =	vadd.s32 s12, v5;
	[tilespmem:s19+$0xFFFFFFE0] =	vst v12;
	v46 =	vperm.xlane v15, v45  }
0xba: {  	[tilespmem:s20+$0xFFFFFFE0] =	vst v14  }
0xbb: {  	[tilespmem:s21+$0xFFFFFFE0] =	vst v46  }
0xbc: {  	v12 =	vld [tilespmem:s22+$0xFFFFFFE0];
	_ =	sdelay $0x1  }
0xbd: {  	v6 =	vmin.f32 v8, v6;
	v8 =	vld.idx.msk [tilespmem:v47+s13+$0x0], $0xffff;
	_ =	sdelay $0x1  }
0xbe: {  	v6 =	vmin.f32 v6, v9  }
0xbf: {  	v7 =	vmin.f32 v42, v7;
	v6 =	vsub.f32 v6, v12  }
0xc0: {  	v7 =	vmin.f32 v7, v10  }
0xc1: {  	v7 =	vsub.f32 v7, v8;
	v6 =	vsel vm3, $0x7F800000, v6  }
0xc2: {  	v9 =	vperm.xlane v6, v1  }
0xc3: {  	v7 =	vsel vm3, $0x7F800000, v7;
	v8 =	vperm.xlane v6, v0  }
0xc4: {  	v10 =	vperm.xlane v7, v1;
	vm1 =	vle.f32 v6, v9  }
0xc5: {  	vm0 =	vle.f32 v8, v6;
	vm2 =	vle.f32 v8, v9;
	vm1 =	vmneg vm1  }
0xc6: {  	v49 =	vperm.xlane v7, v0;
	vm0 =	vmand vm0, vm2;
	v48 =	vsel vm1, v3, v2  }
0xc7: {  	v12 =	vsel vm0, v4, v48;
	vm0 =	vle.f32 v7, v10  }
0xc8: {  	vm2 =	vle.f32 v49, v10;
	vm1 =	vle.f32 v49, v7;
	vm0 =	vmneg vm0  }
0xc9: {  	vm1 =	vmand vm1, vm2;
	vm2 =	vgt.s32 v12, $0x0;
	v50 =	vsel vm0, v3, v2  }
0xca: {  	v51 =	vnsel vm2, $0x0, v12;
	v15 =	vsel vm1, v4, v50  }
0xcb: {  	v11 =	vperm.xlane v11, v51;
	vm0 =	vgt.s32 v15, $0x0  }
0xcc: {  	s14 =	sadd.s32 $0x6, s18;
	[tilespmem:s23+$0xFFFFFFF0] =	vst v12;
	v52 =	vnsel vm0, $0x0, v15  }
0xcd: {  	v53 =	vadd.s32 s14, v5;
	[tilespmem:s19+$0xFFFFFFF0] =	vst v11;
	v11 =	vperm.xlane v14, v52  }
0xce: {  	[tilespmem:s20+$0xFFFFFFF0] =	vst v15  }
0xcf: {  	[tilespmem:s21+$0xFFFFFFF0] =	vst v11  }
0xd0: {  	v11 =	vld [tilespmem:s22+$0xFFFFFFF0];
	_ =	sdelay $0x1  }
0xd1: {  	v6 =	vmin.f32 v8, v6;
	v8 =	vld.idx.msk [tilespmem:v53+s13+$0x0], $0xffff;
	_ =	sdelay $0x1  }
0xd2: {  	v6 =	vmin.f32 v6, v9  }
0xd3: {  	v7 =	vmin.f32 v49, v7;
	v6 =	vsub.f32 v6, v11  }
0xd4: {  	v7 =	vmin.f32 v7, v10  }
0xd5: {  	v7 =	vsub.f32 v7, v8;
	v6 =	vsel vm3, $0x7F800000, v6  }
0xd6: {  	v9 =	vperm.xlane v6, v1  }
0xd7: {  	v7 =	vsel vm3, $0x7F800000, v7;
	v8 =	vperm.xlane v6, v0  }
0xd8: {  	v10 =	vperm.xlane v7, v1;
	vm1 =	vle.f32 v6, v9  }
0xd9: {  	vm0 =	vle.f32 v8, v6;
	vm2 =	vle.f32 v8, v9;
	vm1 =	vmneg vm1  }
0xda: {  	v54 =	vperm.xlane v7, v0;
	vm0 =	vmand vm0, vm2;
	v11 =	vsel vm1, v3, v2  }
0xdb: {  	v11 =	vsel vm0, v4, v11;
	vm0 =	vle.f32 v7, v10  }
0xdc: {  	vm2 =	vle.f32 v54, v10;
	vm1 =	vle.f32 v54, v7;
	vm0 =	vmneg vm0  }
0xdd: {  	vm1 =	vmand vm1, vm2;
	vm2 =	vgt.s32 v11, $0x0;
	v55 =	vsel vm0, v3, v2  }
0xde: {  	v56 =	vnsel vm2, $0x0, v11;
	v14 =	vsel vm1, v4, v55  }
0xdf: {  	v12 =	vperm.xlane v12, v56;
	vm0 =	vgt.s32 v14, $0x0  }
0xe0: {  	s15 =	sadd.s32 $0x7, s18;
	[tilespmem:s23+$0x0] =	vst v11;
	v57 =	vnsel vm0, $0x0, v14  }
0xe1: {  	v59 =	vadd.s32 s15, v5;
	[tilespmem:s19+$0x0] =	vst v12;
	v58 =	vperm.xlane v15, v57  }
0xe2: {  	[tilespmem:s20+$0x0] =	vst v14  }
0xe3: {  	[tilespmem:s21+$0x0] =	vst v58  }
0xe4: {  	v12 =	vld [tilespmem:s22+$0x0];
	_ =	sdelay $0x1  }
0xe5: {  	v6 =	vmin.f32 v8, v6;
	v8 =	vld.idx.msk [tilespmem:v59+s13+$0x0], $0xffff;
	_ =	sdelay $0x1  }
0xe6: {  	v6 =	vmin.f32 v6, v9  }
0xe7: {  	v7 =	vmin.f32 v54, v7;
	v6 =	vsub.f32 v6, v12  }
0xe8: {  	v7 =	vmin.f32 v7, v10  }
0xe9: {  	v7 =	vsub.f32 v7, v8;
	v6 =	vsel vm3, $0x7F800000, v6  }
0xea: {  	v9 =	vperm.xlane v6, v1  }
0xeb: {  	v7 =	vsel vm3, $0x7F800000, v7;
	v8 =	vperm.xlane v6, v0  }
0xec: {  	v10 =	vperm.xlane v7, v1;
	vm1 =	vle.f32 v6, v9  }
0xed: {  	vm0 =	vle.f32 v8, v6;
	vm2 =	vle.f32 v8, v9;
	vm1 =	vmneg vm1  }
0xee: {  	v61 =	vperm.xlane v7, v0;
	vm0 =	vmand vm0, vm2;
	v60 =	vsel vm1, v3, v2  }
0xef: {  	v12 =	vsel vm0, v4, v60;
	vm0 =	vle.f32 v7, v10  }
0xf0: {  	vm2 =	vle.f32 v61, v10;
	vm1 =	vle.f32 v61, v7;
	vm0 =	vmneg vm0  }
0xf1: {  	vm1 =	vmand vm1, vm2;
	vm2 =	vgt.s32 v12, $0x0;
	v62 =	vsel vm0, v3, v2  }
0xf2: {  	v63 =	vnsel vm2, $0x0, v12;
	v15 =	vsel vm1, v4, v62  }
0xf3: {  	v11 =	vperm.xlane v11, v63;
	vm0 =	vgt.s32 v15, $0x0  }
0xf4: {  	s16 =	sadd.s32 $0x8, s18;
	[tilespmem:s23+$0x10] =	vst v12;
	v20 =	vnsel vm0, $0x0, v15  }
0xf5: {  	v21 =	vadd.s32 s16, v5;
	[tilespmem:s19+$0x10] =	vst v11;
	v11 =	vperm.xlane v14, v20  }
0xf6: {  	[tilespmem:s20+$0x10] =	vst v15  }
0xf7: {  	[tilespmem:s21+$0x10] =	vst v11  }
0xf8: {  	v11 =	vld [tilespmem:s22+$0x10];
	_ =	sdelay $0x1  }
0xf9: {  	v6 =	vmin.f32 v8, v6;
	v8 =	vld.idx.msk [tilespmem:v21+s13+$0x0], $0xffff;
	_ =	sdelay $0x1  }
0xfa: {  	v6 =	vmin.f32 v6, v9  }
0xfb: {  	v7 =	vmin.f32 v61, v7;
	v6 =	vsub.f32 v6, v11  }
0xfc: {  	v7 =	vmin.f32 v7, v10  }
0xfd: {  	v7 =	vsub.f32 v7, v8;
	v6 =	vsel vm3, $0x7F800000, v6  }
0xfe: {  	v9 =	vperm.xlane v6, v1  }
0xff: {  	v7 =	vsel vm3, $0x7F800000, v7;
	v8 =	vperm.xlane v6, v0  }
0x100: {  	v10 =	vperm.xlane v7, v1;
	vm1 =	vle.f32 v6, v9  }
0x101: {  	vm0 =	vle.f32 v8, v6;
	vm2 =	vle.f32 v8, v9;
	vm1 =	vmneg vm1  }
0x102: {  	v22 =	vperm.xlane v7, v0;
	vm0 =	vmand vm0, vm2;
	v11 =	vsel vm1, v3, v2  }
0x103: {  	v11 =	vsel vm0, v4, v11;
	vm0 =	vle.f32 v7, v10  }
0x104: {  	vm2 =	vle.f32 v22, v10;
	vm1 =	vle.f32 v22, v7;
	vm0 =	vmneg vm0  }
0x105: {  	vm1 =	vmand vm1, vm2;
	vm2 =	vgt.s32 v11, $0x0;
	v23 =	vsel vm0, v3, v2  }
0x106: {  	v24 =	vnsel vm2, $0x0, v11;
	v14 =	vsel vm1, v4, v23  }
0x107: {  	v12 =	vperm.xlane v12, v24;
	vm0 =	vgt.s32 v14, $0x0  }
0x108: {  	s17 =	sadd.s32 $0x9, s18;
	[tilespmem:s23+$0x20] =	vst v11;
	v25 =	vnsel vm0, $0x0, v14  }
0x109: {  	v27 =	vadd.s32 s17, v5;
	[tilespmem:s19+$0x20] =	vst v12;
	v26 =	vperm.xlane v15, v25  }
0x10a: {  	[tilespmem:s20+$0x20] =	vst v14  }
0x10b: {  	[tilespmem:s21+$0x20] =	vst v26  }
0x10c: {  	v12 =	vld [tilespmem:s22+$0x20];
	_ =	sdelay $0x1  }
0x10d: {  	v6 =	vmin.f32 v8, v6;
	v8 =	vld.idx.msk [tilespmem:v27+s13+$0x0], $0xffff;
	_ =	sdelay $0x1  }
0x10e: {  	v6 =	vmin.f32 v6, v9  }
0x10f: {  	v7 =	vmin.f32 v22, v7;
	v6 =	vsub.f32 v6, v12  }
0x110: {  	v7 =	vmin.f32 v7, v10  }
0x111: {  	v7 =	vsub.f32 v7, v8;
	v6 =	vsel vm3, $0x7F800000, v6  }
0x112: {  	v9 =	vperm.xlane v6, v1  }
0x113: {  	v7 =	vsel vm3, $0x7F800000, v7;
	v8 =	vperm.xlane v6, v0  }
0x114: {  	v10 =	vperm.xlane v7, v1;
	vm1 =	vle.f32 v6, v9  }
0x115: {  	vm0 =	vle.f32 v8, v6;
	vm2 =	vle.f32 v8, v9;
	vm1 =	vmneg vm1  }
0x116: {  	v29 =	vperm.xlane v7, v0;
	vm0 =	vmand vm0, vm2;
	v28 =	vsel vm1, v3, v2  }
0x117: {  	v12 =	vsel vm0, v4, v28;
	vm0 =	vle.f32 v7, v10  }
0x118: {  	vm2 =	vle.f32 v29, v10;
	vm1 =	vle.f32 v29, v7;
	vm0 =	vmneg vm0  }
0x119: {  	vm1 =	vmand vm1, vm2;
	vm2 =	vgt.s32 v12, $0x0;
	v30 =	vsel vm0, v3, v2  }
0x11a: {  	v31 =	vnsel vm2, $0x0, v12;
	v15 =	vsel vm1, v4, v30  }
0x11b: {  	v11 =	vperm.xlane v11, v31;
	vm0 =	vgt.s32 v15, $0x0  }
0x11c: {  	s24 =	sadd.s32 $0xA, s18;
	[tilespmem:s23+$0x30] =	vst v12;
	v32 =	vnsel vm0, $0x0, v15  }
0x11d: {  	v33 =	vadd.s32 s24, v5;
	[tilespmem:s19+$0x30] =	vst v11;
	v11 =	vperm.xlane v14, v32  }
0x11e: {  	[tilespmem:s20+$0x30] =	vst v15  }
0x11f: {  	[tilespmem:s21+$0x30] =	vst v11  }
0x120: {  	v11 =	vld [tilespmem:s22+$0x30];
	_ =	sdelay $0x1  }
0x121: {  	v6 =	vmin.f32 v8, v6;
	v8 =	vld.idx.msk [tilespmem:v33+s13+$0x0], $0xffff;
	_ =	sdelay $0x1  }
0x122: {  	v6 =	vmin.f32 v6, v9  }
0x123: {  	v7 =	vmin.f32 v29, v7;
	v6 =	vsub.f32 v6, v11  }
0x124: {  	v7 =	vmin.f32 v7, v10  }
0x125: {  	v7 =	vsub.f32 v7, v8;
	v6 =	vsel vm3, $0x7F800000, v6  }
0x126: {  	v9 =	vperm.xlane v6, v1  }
0x127: {  	v7 =	vsel vm3, $0x7F800000, v7;
	v8 =	vperm.xlane v6, v0  }
0x128: {  	v10 =	vperm.xlane v7, v1;
	vm1 =	vle.f32 v6, v9  }
0x129: {  	vm0 =	vle.f32 v8, v6;
	vm2 =	vle.f32 v8, v9;
	vm1 =	vmneg vm1  }
0x12a: {  	v34 =	vperm.xlane v7, v0;
	vm0 =	vmand vm0, vm2;
	v11 =	vsel vm1, v3, v2  }
0x12b: {  	v11 =	vsel vm0, v4, v11;
	vm0 =	vle.f32 v7, v10  }
0x12c: {  	vm2 =	vle.f32 v34, v10;
	vm1 =	vle.f32 v34, v7;
	vm0 =	vmneg vm0  }
0x12d: {  	vm1 =	vmand vm1, vm2;
	vm2 =	vgt.s32 v11, $0x0;
	v35 =	vsel vm0, v3, v2  }
0x12e: {  	v36 =	vnsel vm2, $0x0, v11;
	v14 =	vsel vm1, v4, v35  }
0x12f: {  	v12 =	vperm.xlane v12, v36;
	vm0 =	vgt.s32 v14, $0x0  }
0x130: {  	s25 =	sadd.s32 $0xB, s18;
	[tilespmem:s23+$0x40] =	vst v11;
	v37 =	vnsel vm0, $0x0, v14  }
0x131: {  	v39 =	vadd.s32 s25, v5;
	[tilespmem:s19+$0x40] =	vst v12;
	v38 =	vperm.xlane v15, v37  }
0x132: {  	[tilespmem:s20+$0x40] =	vst v14  }
0x133: {  	[tilespmem:s21+$0x40] =	vst v38  }
0x134: {  	v12 =	vld [tilespmem:s22+$0x40];
	_ =	sdelay $0x1  }
0x135: {  	v6 =	vmin.f32 v8, v6;
	v8 =	vld.idx.msk [tilespmem:v39+s13+$0x0], $0xffff;
	_ =	sdelay $0x1  }
0x136: {  	v6 =	vmin.f32 v6, v9  }
0x137: {  	v7 =	vmin.f32 v34, v7;
	v6 =	vsub.f32 v6, v12  }
0x138: {  	v7 =	vmin.f32 v7, v10  }
0x139: {  	v7 =	vsub.f32 v7, v8;
	v6 =	vsel vm3, $0x7F800000, v6  }
0x13a: {  	v9 =	vperm.xlane v6, v1  }
0x13b: {  	v7 =	vsel vm3, $0x7F800000, v7;
	v8 =	vperm.xlane v6, v0  }
0x13c: {  	v10 =	vperm.xlane v7, v1;
	vm1 =	vle.f32 v6, v9  }
0x13d: {  	vm0 =	vle.f32 v8, v6;
	vm2 =	vle.f32 v8, v9;
	vm1 =	vmneg vm1  }
0x13e: {  	v41 =	vperm.xlane v7, v0;
	vm0 =	vmand vm0, vm2;
	v40 =	vsel vm1, v3, v2  }
0x13f: {  	v12 =	vsel vm0, v4, v40;
	vm0 =	vle.f32 v7, v10  }
0x140: {  	vm2 =	vle.f32 v41, v10;
	vm1 =	vle.f32 v41, v7;
	vm0 =	vmneg vm0  }
0x141: {  	vm1 =	vmand vm1, vm2;
	vm2 =	vgt.s32 v12, $0x0;
	v42 =	vsel vm0, v3, v2  }
0x142: {  	v43 =	vnsel vm2, $0x0, v12;
	v15 =	vsel vm1, v4, v42  }
0x143: {  	v11 =	vperm.xlane v11, v43;
	vm0 =	vgt.s32 v15, $0x0  }
0x144: {  	s26 =	sadd.s32 $0xC, s18;
	[tilespmem:s23+$0x50] =	vst v12;
	v44 =	vnsel vm0, $0x0, v15  }
0x145: {  	v45 =	vadd.s32 s26, v5;
	[tilespmem:s19+$0x50] =	vst v11;
	v11 =	vperm.xlane v14, v44  }
0x146: {  	[tilespmem:s20+$0x50] =	vst v15  }
0x147: {  	[tilespmem:s21+$0x50] =	vst v11  }
0x148: {  	v11 =	vld [tilespmem:s22+$0x50];
	_ =	sdelay $0x1  }
0x149: {  	v6 =	vmin.f32 v8, v6;
	v8 =	vld.idx.msk [tilespmem:v45+s13+$0x0], $0xffff;
	_ =	sdelay $0x1  }
0x14a: {  	v6 =	vmin.f32 v6, v9  }
0x14b: {  	v7 =	vmin.f32 v41, v7;
	v6 =	vsub.f32 v6, v11  }
0x14c: {  	v7 =	vmin.f32 v7, v10  }
0x14d: {  	v7 =	vsub.f32 v7, v8;
	v6 =	vsel vm3, $0x7F800000, v6  }
0x14e: {  	v9 =	vperm.xlane v6, v1  }
0x14f: {  	v7 =	vsel vm3, $0x7F800000, v7;
	v8 =	vperm.xlane v6, v0  }
0x150: {  	v10 =	vperm.xlane v7, v1;
	vm1 =	vle.f32 v6, v9  }
0x151: {  	vm0 =	vle.f32 v8, v6;
	vm2 =	vle.f32 v8, v9;
	vm1 =	vmneg vm1  }
0x152: {  	v46 =	vperm.xlane v7, v0;
	vm0 =	vmand vm0, vm2;
	v11 =	vsel vm1, v3, v2  }
0x153: {  	v11 =	vsel vm0, v4, v11;
	vm0 =	vle.f32 v7, v10  }
0x154: {  	vm2 =	vle.f32 v46, v10;
	vm1 =	vle.f32 v46, v7;
	vm0 =	vmneg vm0  }
0x155: {  	vm1 =	vmand vm1, vm2;
	vm2 =	vgt.s32 v11, $0x0;
	v47 =	vsel vm0, v3, v2  }
0x156: {  	v48 =	vnsel vm2, $0x0, v11;
	v14 =	vsel vm1, v4, v47  }
0x157: {  	v12 =	vperm.xlane v12, v48;
	vm0 =	vgt.s32 v14, $0x0  }
0x158: {  	s29 =	sadd.s32 $0xD, s18;
	[tilespmem:s23+$0x60] =	vst v11;
	v49 =	vnsel vm0, $0x0, v14  }
0x159: {  	v51 =	vadd.s32 s29, v5;
	[tilespmem:s19+$0x60] =	vst v12;
	v50 =	vperm.xlane v15, v49  }
0x15a: {  	[tilespmem:s20+$0x60] =	vst v14  }
0x15b: {  	[tilespmem:s21+$0x60] =	vst v50  }
0x15c: {  	v12 =	vld [tilespmem:s22+$0x60];
	_ =	sdelay $0x1  }
0x15d: {  	v6 =	vmin.f32 v8, v6;
	v8 =	vld.idx.msk [tilespmem:v51+s13+$0x0], $0xffff;
	_ =	sdelay $0x1  }
0x15e: {  	v6 =	vmin.f32 v6, v9  }
0x15f: {  	v7 =	vmin.f32 v46, v7;
	v6 =	vsub.f32 v6, v12  }
0x160: {  	v7 =	vmin.f32 v7, v10  }
0x161: {  	v7 =	vsub.f32 v7, v8;
	v6 =	vsel vm3, $0x7F800000, v6  }
0x162: {  	v9 =	vperm.xlane v6, v1  }
0x163: {  	v7 =	vsel vm3, $0x7F800000, v7;
	v8 =	vperm.xlane v6, v0  }
0x164: {  	v10 =	vperm.xlane v7, v1;
	vm1 =	vle.f32 v6, v9  }
0x165: {  	vm0 =	vle.f32 v8, v6;
	vm2 =	vle.f32 v8, v9;
	vm1 =	vmneg vm1  }
0x166: {  	v53 =	vperm.xlane v7, v0;
	vm0 =	vmand vm0, vm2;
	v52 =	vsel vm1, v3, v2  }
0x167: {  	v12 =	vsel vm0, v4, v52;
	vm0 =	vle.f32 v7, v10  }
0x168: {  	vm2 =	vle.f32 v53, v10;
	vm1 =	vle.f32 v53, v7;
	vm0 =	vmneg vm0  }
0x169: {  	vm1 =	vmand vm1, vm2;
	vm2 =	vgt.s32 v12, $0x0;
	v54 =	vsel vm0, v3, v2  }
0x16a: {  	v55 =	vnsel vm2, $0x0, v12;
	v15 =	vsel vm1, v4, v54  }
0x16b: {  	v11 =	vperm.xlane v11, v55;
	vm0 =	vgt.s32 v15, $0x0  }
0x16c: {  	[tilespmem:s23+$0x70] =	vst v12;
	v56 =	vnsel vm0, $0x0, v15  }
0x16d: {  	s30 =	sadd.s32 $0xE, s18;
	[tilespmem:s19+$0x70] =	vst v11;
	v11 =	vperm.xlane v14, v56  }
0x16e: {  	v57 =	vadd.s32 s30, v5;
	[tilespmem:s20+$0x70] =	vst v15  }
0x16f: {  	[tilespmem:s21+$0x70] =	vst v11  }
0x170: {  	v11 =	vld [tilespmem:s22+$0x70];
	_ =	sdelay $0x2  }
0x171: {  	v6 =	vmin.f32 v8, v6;
	v8 =	vld.idx.msk [tilespmem:v57+s13+$0x0], $0xffff  }
0x172: {  	v6 =	vmin.f32 v6, v9  }
0x173: {  	v6 =	vsub.f32 v6, v11  }
0x174: {  	v7 =	vmin.f32 v53, v7  }
0x175: {  	v7 =	vmin.f32 v7, v10;
	v9 =	vsel vm3, $0x7F800000, v6  }
0x176: {  	v6 =	vsub.f32 v7, v8;
	v7 =	vperm.xlane v9, v0;
	v10 =	vperm.xlane v9, v1;
	_ =	sdelay $0x1  }
0x177: {  	v11 =	vsel vm3, $0x7F800000, v6;
	vm0 =	vle.f32 v7, v9;
	vm1 =	vle.f32 v9, v10  }
0x178: {  	vm2 =	vle.f32 v7, v10;
	v58 =	vperm.xlane v11, v1;
	vm1 =	vmneg vm1  }
0x179: {  	v59 =	vperm.xlane v11, v0;
	vm0 =	vmand vm0, vm2;
	v6 =	vsel vm1, v3, v2  }
0x17a: {  	v8 =	vsel vm0, v4, v6;
	vm0 =	vle.f32 v11, v58  }
0x17b: {  	vm1 =	vle.f32 v59, v11;
	vm2 =	vle.f32 v59, v58;
	vm0 =	vmneg vm0  }
0x17c: {  	vm1 =	vmand vm1, vm2;
	v6 =	vsel vm0, v3, v2;
	vm0 =	vgt.s32 v8, $0x0  }
0x17d: {  	v60 =	vnsel vm0, $0x0, v8;
	v6 =	vsel vm1, v4, v6  }
0x17e: {  	s31 =	sadd.s32 $0xF, s18;
	v12 =	vperm.xlane v12, v60;
	vm0 =	vgt.s32 v6, $0x0  }
0x17f: {  	v17 =	vadd.s32 s31, v5;
	[tilespmem:s23+$0x80] =	vst v8;
	v61 =	vnsel vm0, $0x0, v6  }
0x180: {  	[tilespmem:s19+$0x80] =	vst v12;
	v62 =	vperm.xlane v15, v61  }
0x181: {  	[tilespmem:s20+$0x80] =	vst v6  }
0x182: {  	[tilespmem:s21+$0x80] =	vst v62  }
0x183: {  	v12 =	vld [tilespmem:s22+$0x80]  }
0x184: {  	v63 =	vld.idx.msk [tilespmem:v17+s13+$0x0], $0xffff;
	_ =	sdelay $0x1  }
0x185: {  	p0 =	slt.u32 s18, $0x1E1  }
.Ltmp2:
0x186: {  	v7 =	vmin.f32 v7, v9;
	v9 =	vmin.f32 v59, v11;
	(pc) =	sbr.rel @p0 .LBB2_5-.Ltmp2, $4  }
0x187: {  	s1 =	simm.s32 $0x7F20;
	s2 =	simm.s32 $0xBF40;
	s4 =	simm.s32 $0x9F30;
	v7 =	vmin.f32 v7, v10;
	v9 =	vmin.f32 v9, v58  }
0x188: {  	s5 =	simm.s32 $0xDF50;
	s6 =	simm.s32 $0x1F10;
	s0 =	simm.s32 $0x1F1;
	v7 =	vsub.f32 v7, v12;
	v9 =	vsub.f32 v9, v63  }
0x189: {  	s18 =	sadd.s32 $0x10, s18;
	s23 =	sadd.s32 $0x100, s23;
	s19 =	sadd.s32 $0x100, s19  }
0x18a: {  	vm0 =	vmmov vm3;
	s20 =	sadd.s32 $0x100, s20;
	s21 =	sadd.s32 $0x100, s21;
	s22 =	sadd.s32 $0x100, s22;
	v7 =	vsel vm3, $0x7F800000, v7;
	v9 =	vsel vm3, $0x7F800000, v9  }
.LBB2_6:
0x18b: {  	v11 =	vperm.xlane v7, v1  }
0x18c: {  	v10 =	vperm.xlane v7, v0  }
0x18d: {  	v12 =	vperm.xlane v9, v1;
	vm1 =	vle.f32 v7, v11  }
0x18e: {  	vm0 =	vle.f32 v10, v7;
	vm2 =	vle.f32 v10, v11;
	vm1 =	vmneg vm1  }
0x18f: {  	v14 =	vperm.xlane v9, v0;
	vm0 =	vmand vm0, vm2;
	v13 =	vsel vm1, v3, v2  }
0x190: {  	v13 =	vsel vm0, v4, v13;
	vm0 =	vle.f32 v9, v12  }
0x191: {  	vm2 =	vle.f32 v14, v12;
	vm1 =	vle.f32 v14, v9;
	vm0 =	vmneg vm0  }
0x192: {  	vm1 =	vmand vm1, vm2;
	v15 =	vsel vm0, v3, v2;
	vm0 =	vgt.s32 v13, $0x0  }
0x193: {  	v16 =	vnsel vm0, $0x0, v13;
	v15 =	vsel vm1, v4, v15  }
0x194: {  	v8 =	vperm.xlane v8, v16;
	vm0 =	vgt.s32 v15, $0x0  }
0x195: {  	v17 =	vadd.s32 s0, v5;
	[tilespmem:s1+$0x0] =	vst v13;
	v63 =	vnsel vm0, $0x0, v15  }
0x196: {  	[tilespmem:s2+$0x0] =	vst v8;
	v6 =	vperm.xlane v6, v63  }
0x197: {  	[tilespmem:s4+$0x0] =	vst v15  }
0x198: {  	[tilespmem:s5+$0x0] =	vst v6  }
0x199: {  	v6 =	vld [tilespmem:s6+$0x0]  }
0x19a: {  	v8 =	vld.idx.msk [tilespmem:v17+s13+$0x0], $0xffff;
	_ =	sdelay $0x2  }
0x19b: {  	v7 =	vmin.f32 v10, v7;
	v9 =	vmin.f32 v14, v9  }
0x19c: {  	p0 =	sne.s32 s0, $0x1FF;
	v7 =	vmin.f32 v7, v11;
	v9 =	vmin.f32 v9, v12  }
.Ltmp3:
0x19d: {  	v6 =	vsub.f32 v7, v6;
	v8 =	vsub.f32 v9, v8;
	(pc) =	sbr.rel @p0 .LBB2_6-.Ltmp3, $3  }
0x19e: {  	_ =	sdelay $0x1  }
0x19f: {  	s0 =	sadd.s32 $0x1, s0;
	s1 =	sadd.s32 $0x10, s1;
	s2 =	sadd.s32 $0x10, s2  }
0x1a0: {  	s4 =	sadd.s32 $0x10, s4;
	s5 =	sadd.s32 $0x10, s5;
	s6 =	sadd.s32 $0x10, s6;
	v7 =	vsel vm3, $0x7F800000, v6;
	v9 =	vsel vm3, $0x7F800000, v8;
	v6 =	vmovc v15;
	v8 =	vmov v13  }
0x1a1: {  	[tilespmem:$0xE060] =	vst v9  }
0x1a2: {  	v6 =	vld [tilespmem:$0xE063]  }
0x1a3: {  	v8 =	vld [tilespmem:$0xE064]  }
0x1a4: {  	v9 =	vld [tilespmem:$0xE065]  }
0x1a5: {  	v10 =	vld [tilespmem:$0xE066]  }
0x1a6: {  	v11 =	vld [tilespmem:$0xE067]  }
0x1a7: {  	(v2sf) =	vpush v6, $0x0;
	v6 =	vld [tilespmem:$0xE068]  }
0x1a8: {  	(v2sf) =	vpush v8, $0x0;
	v8 =	vld [tilespmem:$0xE069]  }
0x1a9: {  	v45 =	vld [tilespmem:$0xE06A];
	(v2sf) =	vpush v9, $0x0  }
0x1aa: {  	v46 =	vld [tilespmem:$0xE06B];
	(v2sf) =	vpush v10, $0x0  }
0x1ab: {  	v47 =	vld [tilespmem:$0xE06C];
	(v2sf) =	vpush v11, $0x0  }
0x1ac: {  	[tilespmem:$0xE050] =	vst v7;
	(v2sf) =	vpush v6, $0x0;
	v6 =	vld [tilespmem:$0xE06D]  }
0x1ad: {  	v7 =	vld [tilespmem:$0xE053];
	(v2sf) =	vpush v8, $0x0  }
0x1ae: {  	(v2sf) =	vpush v45, $0x0  }
0x1af: {  	(v2sf) =	vpush v46, $0x0  }
0x1b0: {  	v8 =	vld [tilespmem:$0xE054];
	(v2sf) =	vpush v47, $0x0  }
0x1b1: {  	(v2sf) =	vpush v6, $0x0  }
0x1b2: {  	(v2sf) =	vpush v7, $0x0  }
0x1b3: {  	v6 =	vld [tilespmem:$0xE055];
	_ =	sdelay $0x1  }
0x1b4: {  	(v2sf) =	vpush v8, $0x0  }
0x1b5: {  	v7 =	vld [tilespmem:$0xE056];
	s2 =	spop (v2sf)  }
0x1b6: {  	s0 =	spop (v2sf)  }
0x1b7: {  	(v2sf) =	vpush v6, $0x0;
	s1 =	spop (v2sf)  }
0x1b8: {  	v6 =	vld [tilespmem:$0xE057];
	s9 =	spop (v2sf)  }
0x1b9: {  	s10 =	spop (v2sf)  }
0x1ba: {  	(v2sf) =	vpush v7, $0x0;
	s11 =	spop (v2sf)  }
0x1bb: {  	v7 =	vld [tilespmem:$0xE058];
	s12 =	spop (v2sf)  }
0x1bc: {  	s8 =	spop (v2sf)  }
0x1bd: {  	(v2sf) =	vpush v6, $0x0;
	s7 =	spop (v2sf)  }
0x1be: {  	v6 =	vld [tilespmem:$0xE059];
	s6 =	spop (v2sf)  }
0x1bf: {  	s5 =	spop (v2sf)  }
0x1c0: {  	p0 =	slt.f32 s2, $+Inf;
	(v2sf) =	vpush v7, $0x0;
	s4 =	spop (v2sf)  }
0x1c1: {  	p1 =	slt.f32 s4, $+Inf  }
0x1c2: {  	s2 =	simm.s32 @!p0 $0x7F800000  }
0x1c3: {  	p0 =	slt.f32 s0, s2;
	(v2sf) =	vpush v6, $0x0;
	s14 =	spop (v2sf);
	s4 =	simm.s32 @!p1 $0x7F800000  }
0x1c4: {  	v7 =	vld [tilespmem:$0xE05A];
	p4 =	slt.f32 s14, s4  }
0x1c5: {  	s2 =	smov.u32 @p0 s0  }
0x1c6: {  	p1 =	slt.f32 s1, s2;
	s0 =	spop (v2sf);
	s4 =	smov.u32 @p4 s14  }
0x1c7: {  	v6 =	vld [tilespmem:$0xE05B];
	p5 =	slt.f32 s0, s4  }
0x1c8: {  	s2 =	smov.u32 @p1 s1  }
0x1c9: {  	(v2sf) =	vpush v7, $0x0;
	p2 =	slt.f32 s9, s2;
	s4 =	smov.u32 @p5 s0;
	s0 =	spop (v2sf)  }
0x1ca: {  	p6 =	slt.f32 s0, s4  }
0x1cb: {  	s3 =	simm.s32 @!p0 $0x0;
	v7 =	vld [tilespmem:$0xE05C];
	s2 =	smov.u32 @p2 s9  }
0x1cc: {  	p3 =	slt.f32 s10, s2;
	(v2sf) =	vpush v6, $0x0;
	s1 =	spop (v2sf);
	s4 =	smov.u32 @p6 s0  }
0x1cd: {  	s3 =	simm.s32 @p0 $0x1;
	s0 =	simm.s32 $0x4;
	p0 =	slt.f32 s1, s4  }
0x1ce: {  	v6 =	vld [tilespmem:$0xE05D];
	s2 =	smov.u32 @p3 s10;
	s0 =	simm.s32 @!p4 $0x3  }
0x1cf: {  	p4 =	slt.f32 s11, s2;
	s4 =	smov.u32 @p0 s1;
	s1 =	spop (v2sf)  }
0x1d0: {  	[smem:$0x7E9] =	sst s3;
	(v2sf) =	vpush v7, $0x0;
	s0 =	simm.s32 @p5 $0x5;
	p5 =	slt.f32 s1, s4  }
0x1d1: {  	s3 =	sld [smem:$0x7E9];
	s0 =	simm.s32 @p6 $0x6;
	s2 =	smov.u32 @p4 s11  }
0x1d2: {  	s0 =	simm.s32 @p0 $0x7;
	s4 =	smov.u32 @p5 s1;
	s1 =	spop (v2sf)  }
0x1d3: {  	s0 =	simm.s32 @p5 $0x8;
	p5 =	slt.f32 s12, s2;
	(v2sf) =	vpush v6, $0x0;
	p0 =	slt.f32 s1, s4  }
0x1d4: {  	_ = 	snop  }
0x1d5: {  	s2 =	smov.u32 @p5 s12;
	s4 =	smov.u32 @p0 s1  }
0x1d6: {  	s0 =	simm.s32 @p0 $0x9;
	s1 =	simm.s32 $0x4;
	p0 =	seq.s32 s3, $0x1  }
0x1d7: {  	s1 =	simm.s32 @!p0 $0x3;
	p0 =	slt.f32 s8, s2  }
0x1d8: {  	s9 =	spop (v2sf)  }
0x1d9: {  	p6 =	slt.f32 s9, s4;
	s2 =	smov.u32 @p0 s8  }
0x1da: {  	s1 =	simm.s32 @p1 $0x5;
	p1 =	slt.f32 s7, s2  }
0x1db: {  	s4 =	smov.u32 @p6 s9;
	s8 =	spop (v2sf)  }
0x1dc: {  	s1 =	simm.s32 @p2 $0x6;
	p2 =	slt.f32 s8, s4;
	s2 =	smov.u32 @p1 s7  }
0x1dd: {  	s1 =	simm.s32 @p3 $0x7;
	p3 =	slt.f32 s6, s2  }
0x1de: {  	s1 =	simm.s32 @p4 $0x8;
	s4 =	smov.u32 @p2 s8  }
0x1df: {  	s1 =	simm.s32 @p5 $0x9;
	s2 =	smov.u32 @p3 s6;
	s6 =	spop (v2sf)  }
0x1e0: {  	s1 =	simm.s32 @p0 $0xA;
	p0 =	slt.f32 s6, s4  }
0x1e1: {  	s0 =	simm.s32 @p6 $0xA;
	s1 =	simm.s32 @p1 $0xB  }
0x1e2: {  	p1 =	slt.f32 s5, s2;
	s4 =	smov.u32 @p0 s6;
	s14 =	spop (v2sf)  }
0x1e3: {  	s0 =	simm.s32 @p2 $0xB;
	s1 =	simm.s32 @p3 $0xC;
	p2 =	slt.f32 s14, s4  }
0x1e4: {  	s0 =	simm.s32 @p0 $0xC;
	s1 =	simm.s32 @p1 $0xD  }
0x1e5: {  	s15 =	sadd.s32 $0x1E10, s1;
	s0 =	simm.s32 @p2 $0xD  }
0x1e6: {  	v6 =	vld [tilespmem:s15+$0xC220];
	s16 =	sadd.s32 $0x1E10, s0  }
0x1e7: {  	v7 =	vld [tilespmem:s16+$0xA210];
	_ =	sdelay $0x3  }
0x1e8: {  	(v2sf) =	vpush v6, $0x0  }
0x1e9: {  	(v2sf) =	vpush v7, $0x0;
	_ =	sdelay $0xb  }
0x1ea: {  	v6 =	vld [tilespmem:s15+$0x8200]  }
0x1eb: {  	v7 =	vld [tilespmem:s16+$0x61F0]  }
0x1ec: {  	s6 =	spop (v2sf)  }
0x1ed: {  	s17 =	sadd.s32 $0x1E10, s6;
	s5 =	spop (v2sf)  }
0x1ee: {  	v8 =	vld [tilespmem:s17+$0xC200];
	s18 =	sadd.s32 $0x1E10, s5  }
0x1ef: {  	(v2sf) =	vpush v6, $0x0;
	v48 =	vld [tilespmem:s18+$0xA1F0]  }
0x1f0: {  	(v2sf) =	vpush v7, $0x0;
	_ =	sdelay $0x2  }
0x1f1: {  	(v2sf) =	vpush v8, $0x0  }
0x1f2: {  	(v2sf) =	vpush v48, $0x0;
	_ =	sdelay $0x9  }
0x1f3: {  	s19 =	spop (v2sf)  }
0x1f4: {  	[dreg:$0x16] =	wrdreg s19;
	s20 =	spop (v2sf)  }
0x1f5: {  	[dreg:$0x17] =	wrdreg s20  }
0x1f6: {  	v6 =	vld [tilespmem:s17+$0x81E0]  }
0x1f7: {  	v7 =	vld [tilespmem:s18+$0x61D0];
	s13 =	spop (v2sf)  }
0x1f8: {  	s21 =	sadd.s32 $0x1E10, s13;
	s30 =	spop (v2sf)  }
0x1f9: {  	v8 =	vld [tilespmem:s21+$0xC1E0];
	s22 =	sadd.s32 $0x1E10, s30  }
0x1fa: {  	v49 =	vld [tilespmem:s22+$0xA1D0]  }
0x1fb: {  	(v2sf) =	vpush v6, $0x0  }
0x1fc: {  	(v2sf) =	vpush v7, $0x0;
	_ =	sdelay $0x1  }
0x1fd: {  	(v2sf) =	vpush v8, $0x0  }
0x1fe: {  	(v2sf) =	vpush v49, $0x0;
	_ =	sdelay $0xa  }
0x1ff: {  	s23 =	spop (v2sf)  }
0x200: {  	[dreg:$0x14] =	wrdreg s23;
	s24 =	spop (v2sf)  }
0x201: {  	[dreg:$0x15] =	wrdreg s24  }
0x202: {  	v6 =	vld [tilespmem:s21+$0x81C0];
	s10 =	spop (v2sf)  }
0x203: {  	v7 =	vld [tilespmem:s22+$0x61B0];
	s25 =	sadd.s32 $0x1E10, s10;
	s9 =	spop (v2sf)  }
0x204: {  	v8 =	vld [tilespmem:s25+$0xC1C0];
	s26 =	sadd.s32 $0x1E10, s9  }
0x205: {  	v50 =	vld [tilespmem:s26+$0xA1B0];
	_ =	sdelay $0x1  }
0x206: {  	(v2sf) =	vpush v6, $0x0  }
0x207: {  	(v2sf) =	vpush v7, $0x0  }
0x208: {  	(v2sf) =	vpush v8, $0x0  }
0x209: {  	(v2sf) =	vpush v50, $0x0;
	_ =	sdelay $0xb  }
0x20a: {  	s7 =	spop (v2sf)  }
0x20b: {  	[dreg:$0x18] =	wrdreg s7;
	s8 =	spop (v2sf)  }
0x20c: {  	[dreg:$0x19] =	wrdreg s8;
	s3 =	spop (v2sf)  }
0x20d: {  	v6 =	vld [tilespmem:s25+$0x81A0];
	s12 =	spop (v2sf)  }
0x20e: {  	v7 =	vld [tilespmem:s26+$0x6190];
	s11 =	sadd.s32 $0x1E10, s3;
	[dreg:$0x1b] =	wrdreg s12  }
0x20f: {  	s4 =	sadd.s32 $0x1E10, s12;
	v8 =	vld [tilespmem:s11+$0xC1A0]  }
0x210: {  	v51 =	vld [tilespmem:s4+$0xA190];
	_ =	sdelay $0x1  }
0x211: {  	(v2sf) =	vpush v6, $0x0  }
0x212: {  	(v2sf) =	vpush v7, $0x0  }
0x213: {  	(v2sf) =	vpush v8, $0x0  }
0x214: {  	(v2sf) =	vpush v51, $0x0;
	_ =	sdelay $0xb  }
0x215: {  	s14 =	spop (v2sf)  }
0x216: {  	[dreg:$0x1f] =	wrdreg s14;
	s15 =	spop (v2sf)  }
0x217: {  	[smem:$0x7EA] =	sst s15;
	s25 =	spop (v2sf)  }
0x218: {  	v6 =	vld [tilespmem:s11+$0x8180];
	s17 =	spop (v2sf)  }
0x219: {  	v7 =	vld [tilespmem:s4+$0x6170];
	s16 =	sadd.s32 $0x1E10, s25;
	[dreg:$0x1c] =	wrdreg s17  }
0x21a: {  	v8 =	vld [tilespmem:s16+$0xC180];
	_ =	sdelay $0x2  }
0x21b: {  	(v2sf) =	vpush v6, $0x0  }
0x21c: {  	(v2sf) =	vpush v7, $0x0  }
0x21d: {  	(v2sf) =	vpush v8, $0x0;
	_ =	sdelay $0x2  }
0x21e: {  	s4 =	sadd.s32 $0x1E10, s17  }
0x21f: {  	v52 =	vld [tilespmem:s4+$0xA170];
	_ =	sdelay $0x4  }
0x220: {  	(v2sf) =	vpush v52, $0x0;
	_ =	sdelay $0x3  }
0x221: {  	s18 =	spop (v2sf)  }
0x222: {  	[dreg:$0x1e] =	wrdreg s18;
	s19 =	spop (v2sf)  }
0x223: {  	[dreg:$0x1a] =	wrdreg s19;
	s20 =	spop (v2sf)  }
0x224: {  	v6 =	vld [tilespmem:s16+$0x8160];
	[dreg:$0x1d] =	wrdreg s20  }
0x225: {  	v7 =	vld [tilespmem:s4+$0x6150];
	_ =	sdelay $0x3  }
0x226: {  	(v2sf) =	vpush v6, $0x0  }
0x227: {  	(v2sf) =	vpush v7, $0x0;
	_ =	sdelay $0x1  }
0x228: {  	s2 =	sadd.s32 $0x1E10, s20;
	s29 =	spop (v2sf)  }
0x229: {  	s21 =	sadd.s32 $0x1E10, s29;
	v8 =	vld [tilespmem:s2+$0xC160]  }
0x22a: {  	v53 =	vld [tilespmem:s21+$0xA150];
	_ =	sdelay $0x3  }
0x22b: {  	(v2sf) =	vpush v8, $0x0  }
0x22c: {  	(v2sf) =	vpush v53, $0x0;
	_ =	sdelay $0x4  }
0x22d: {  	s22 =	spop (v2sf)  }
0x22e: {  	[smem:$0x7EF] =	sst s22;
	s23 =	spop (v2sf)  }
0x22f: {  	[smem:$0x7EE] =	sst s23  }
0x230: {  	v6 =	vld [tilespmem:s2+$0x8140]  }
0x231: {  	v7 =	vld [tilespmem:s21+$0x6130];
	_ =	sdelay $0x3  }
0x232: {  	(v2sf) =	vpush v6, $0x0  }
0x233: {  	s22 =	spop (v2sf);
	(v2sf) =	vpush v7, $0x0  }
0x234: {  	s24 =	sadd.s32 $0x1E10, s22;
	s17 =	spop (v2sf)  }
0x235: {  	v8 =	vld [tilespmem:s24+$0xC140];
	s26 =	sadd.s32 $0x1E10, s17  }
0x236: {  	v54 =	vld [tilespmem:s26+$0xA130];
	_ =	sdelay $0x3  }
0x237: {  	(v2sf) =	vpush v8, $0x0  }
0x238: {  	(v2sf) =	vpush v54, $0x0;
	_ =	sdelay $0x5  }
0x239: {  	s11 =	spop (v2sf)  }
0x23a: {  	[smem:$0x7ED] =	sst s11;
	s12 =	spop (v2sf)  }
0x23b: {  	[smem:$0x7EC] =	sst s12  }
0x23c: {  	v6 =	vld [tilespmem:s24+$0x8120];
	_ =	sdelay $0x4  }
0x23d: {  	s8 =	spop (v2sf);
	(v2sf) =	vpush v6, $0x0  }
0x23e: {  	v7 =	vld [tilespmem:s26+$0x6110];
	s14 =	sadd.s32 $0x1E10, s8;
	s15 =	spop (v2sf)  }
0x23f: {  	v8 =	vld [tilespmem:s14+$0xC120];
	s16 =	sadd.s32 $0x1E10, s15  }
0x240: {  	v55 =	vld [tilespmem:s16+$0xA110];
	_ =	sdelay $0x2  }
0x241: {  	(v2sf) =	vpush v7, $0x0  }
0x242: {  	(v2sf) =	vpush v8, $0x0  }
0x243: {  	(v2sf) =	vpush v55, $0x0;
	_ =	sdelay $0x6  }
0x244: {  	s18 =	spop (v2sf)  }
0x245: {  	[smem:$0x7EB] =	sst s18  }
0x246: {  	v6 =	vld [tilespmem:s14+$0x8100]  }
0x247: {  	v7 =	vld [tilespmem:s16+$0x60F0];
	_ =	sdelay $0x2  }
0x248: {  	s24 =	spop (v2sf)  }
0x249: {  	s21 =	spop (v2sf);
	(v2sf) =	vpush v6, $0x0  }
0x24a: {  	s19 =	sadd.s32 $0x1E10, s21;
	s23 =	spop (v2sf);
	(v2sf) =	vpush v7, $0x0  }
0x24b: {  	v8 =	vld [tilespmem:s19+$0xC100];
	s20 =	sadd.s32 $0x1E10, s23  }
0x24c: {  	v56 =	vld [tilespmem:s20+$0xA0F0];
	_ =	sdelay $0x3  }
0x24d: {  	(v2sf) =	vpush v8, $0x0  }
0x24e: {  	(v2sf) =	vpush v56, $0x0;
	_ =	sdelay $0x6  }
0x24f: {  	s11 =	spop (v2sf)  }
0x250: {  	[smem:$0x7F0] =	sst s11;
	s12 =	spop (v2sf)  }
0x251: {  	[smem:$0x7F1] =	sst s12  }
0x252: {  	v6 =	vld [tilespmem:s19+$0x80E0]  }
0x253: {  	v7 =	vld [tilespmem:s20+$0x60D0];
	_ =	sdelay $0x2  }
0x254: {  	s26 =	spop (v2sf)  }
0x255: {  	s14 =	sadd.s32 $0x1E10, s26;
	s20 =	spop (v2sf);
	(v2sf) =	vpush v6, $0x0  }
0x256: {  	v8 =	vld [tilespmem:s14+$0xC0E0];
	s16 =	sadd.s32 $0x1E10, s20;
	(v2sf) =	vpush v7, $0x0  }
0x257: {  	v57 =	vld [tilespmem:s16+$0xA0D0];
	_ =	sdelay $0x3  }
0x258: {  	(v2sf) =	vpush v8, $0x0  }
0x259: {  	(v2sf) =	vpush v57, $0x0;
	_ =	sdelay $0x7  }
0x25a: {  	s18 =	spop (v2sf)  }
0x25b: {  	[smem:$0x7F2] =	sst s18;
	s19 =	spop (v2sf)  }
0x25c: {  	[smem:$0x7F3] =	sst s19  }
0x25d: {  	v6 =	vld [tilespmem:s14+$0x80C0]  }
0x25e: {  	v7 =	vld [tilespmem:s16+$0x60B0];
	_ =	sdelay $0x1  }
0x25f: {  	s31 =	spop (v2sf)  }
0x260: {  	s11 =	sadd.s32 $0x1E10, s31;
	s18 =	spop (v2sf)  }
0x261: {  	v8 =	vld [tilespmem:s11+$0xC0C0];
	s12 =	sadd.s32 $0x1E10, s18;
	(v2sf) =	vpush v6, $0x0  }
0x262: {  	v58 =	vld [tilespmem:s12+$0xA0B0];
	(v2sf) =	vpush v7, $0x0;
	_ =	sdelay $0x3  }
0x263: {  	(v2sf) =	vpush v8, $0x0  }
0x264: {  	(v2sf) =	vpush v58, $0x0;
	_ =	sdelay $0x8  }
0x265: {  	s16 =	spop (v2sf)  }
0x266: {  	[smem:$0x7F4] =	sst s16;
	s19 =	spop (v2sf)  }
0x267: {  	[smem:$0x7F5] =	sst s19  }
0x268: {  	v6 =	vld [tilespmem:s11+$0x80A0]  }
0x269: {  	v7 =	vld [tilespmem:s12+$0x6090]  }
0x26a: {  	s14 =	spop (v2sf)  }
0x26b: {  	s7 =	sadd.s32 $0x1E10, s14;
	s11 =	spop (v2sf)  }
0x26c: {  	v8 =	vld [tilespmem:s7+$0xC0A0];
	s16 =	sadd.s32 $0x1E10, s11  }
0x26d: {  	v59 =	vld [tilespmem:s16+$0xA090];
	(v2sf) =	vpush v6, $0x0  }
0x26e: {  	(v2sf) =	vpush v7, $0x0;
	_ =	sdelay $0x2  }
0x26f: {  	(v2sf) =	vpush v8, $0x0  }
0x270: {  	(v2sf) =	vpush v59, $0x0;
	_ =	sdelay $0x9  }
0x271: {  	s12 =	spop (v2sf)  }
0x272: {  	[smem:$0x7F6] =	sst s12;
	s19 =	spop (v2sf)  }
0x273: {  	[smem:$0x7F9] =	sst s19  }
0x274: {  	v6 =	vld [tilespmem:s7+$0x8080]  }
0x275: {  	s12 =	spop (v2sf)  }
0x276: {  	s4 =	sadd.s32 s28, s6;
	v7 =	vld [tilespmem:s16+$0x6070];
	s2 =	sadd.s32 $0x1E10, s12;
	s7 =	spop (v2sf)  }
0x277: {  	s6 =	sadd.s32 s28, s5;
	s5 =	rddreg [dreg:$0x14];
	v8 =	vld [tilespmem:s2+$0xC080];
	s19 =	sadd.s32 $0x1E10, s7  }
0x278: {  	s16 =	rddreg [dreg:$0x16];
	v60 =	vld [tilespmem:s19+$0xA070]  }
0x279: {  	(v2sf) =	vpush v6, $0x0;
	v6 =	vld [tilespmem:s2+$0x8060];
	[smem:$0x7FB] =	sst s4  }
0x27a: {  	[smem:$0x7FA] =	sst s6  }
0x27b: {  	s6 =	rddreg [dreg:$0x15]  }
0x27c: {  	s2 =	sadd.s32 s28, s16;
	(v2sf) =	vpush v7, $0x0;
	v7 =	vld [tilespmem:s19+$0x6050];
	s19 =	rddreg [dreg:$0x17]  }
0x27d: {  	[smem:$0x7FD] =	sst s2;
	s2 =	sadd.s32 s28, s19  }
0x27e: {  	[smem:$0x7FC] =	sst s2  }
0x27f: {  	s1 =	sadd.s32 s28, s1;
	(v2sf) =	vpush v8, $0x0;
	s2 =	sadd.s32 s28, s6;
	s6 =	rddreg [dreg:$0x1b]  }
0x280: {  	s19 =	sadd.s32 s28, s30;
	(v2sf) =	vpush v60, $0x0;
	s30 =	sadd.s32 s28, s6;
	s6 =	sld [smem:$0x7EA]  }
0x281: {  	(v2sf) =	vpush v6, $0x0;
	v6 =	vmov s1;
	s1 =	sadd.s32 s28, s25;
	s25 =	sld [smem:$0x7EB]  }
0x282: {  	s4 =	sadd.s32 s28, s13;
	s16 =	rddreg [dreg:$0x18]  }
0x283: {  	s0 =	sadd.s32 s28, s0;
	[smem:$0x7F7] =	sst s4  }
0x284: {  	vm1 =	vcmask $0x300;
	s4 =	rddreg [dreg:$0x19];
	v8 =	vmov s0;
	s0 =	sadd.s32 s28, s6;
	s6 =	sadd.s32 s28, s25  }
0x285: {  	vm2 =	vcmask $0x704;
	s22 =	sadd.s32 s28, s22;
	s25 =	sld [smem:$0x7EC];
	v6 =	vsel vm1, s6, v6  }
0x286: {  	s24 =	sadd.s32 s28, s24;
	s13 =	sadd.s32 s28, s5;
	v6 =	vsel vm2, s22, v6;
	s22 =	sld [smem:$0x7ED]  }
0x287: {  	s5 =	sadd.s32 s28, s9;
	s9 =	sadd.s32 s28, s4;
	s4 =	rddreg [dreg:$0x1f]  }
0x288: {  	vm0 =	vmmov vm3;
	s17 =	sadd.s32 s28, s17;
	v8 =	vsel vm1, s24, v8;
	[smem:$0x7F8] =	sst s2  }
0x289: {  	vm3 =	vcmask $0xB08;
	(v2sf) =	vpush v7, $0x0;
	v7 =	vsel vm2, s17, v8;
	s6 =	sadd.s32 s28, s25;
	s2 =	sadd.s32 s28, s22;
	s22 =	sld [smem:$0x7EE]  }
0x28a: {  	s17 =	rddreg [dreg:$0x1c];
	v7 =	vsel vm3, s6, v7;
	s6 =	sadd.s32 s28, s29  }
0x28b: {  	v7 =	vsel vm4, s6, v7;
	s6 =	rddreg [dreg:$0x1a]  }
0x28c: {  	s29 =	sadd.s32 s28, s6;
	s6 =	sadd.s32 s28, s22;
	s22 =	sld [smem:$0x7EF]  }
0x28d: {  	s24 =	sadd.s32 s28, s17;
	s17 =	rddreg [dreg:$0x1d];
	v7 =	vsel vm5, s6, v7  }
0x28e: {  	s10 =	sadd.s32 s28, s10;
	s17 =	sadd.s32 s28, s17;
	s25 =	rddreg [dreg:$0x1e];
	v7 =	vsel vm6, s24, v7  }
0x28f: {  	v6 =	vsel vm3, s2, v6;
	s2 =	sadd.s32 s28, s22;
	v7 =	vsel vm7, s29, v7;
	s22 =	sadd.s32 s28, s23;
	s23 =	sld [smem:$0x7F0]  }
0x290: {  	s3 =	sadd.s32 s28, s3;
	s15 =	sadd.s32 s28, s15;
	v6 =	vsel vm4, s17, v6;
	[dreg:$0x5] =	wrdreg s22;
	v7 =	vsel vm8, s30, v7  }
0x291: {  	s26 =	sadd.s32 s28, s26;
	s31 =	sadd.s32 s28, s31;
	v6 =	vsel vm5, s2, v6;
	s2 =	sld [smem:$0x7F1];
	v7 =	vsel vm9, s0, v7  }
0x292: {  	s4 =	sadd.s32 s28, s4;
	v6 =	vsel vm6, s1, v6;
	s1 =	sadd.s32 s28, s23;
	v7 =	vsel vm10, s5, v7;
	s5 =	sld [smem:$0x7F3]  }
0x293: {  	s25 =	sadd.s32 s28, s25;
	s17 =	sadd.s32 s28, s8;
	[dreg:$0x6] =	wrdreg s1  }
0x294: {  	s6 =	spop (v2sf);
	s24 =	sadd.s32 s28, s21;
	v7 =	vsel vm11, s9, v7;
	s9 =	sld [smem:$0x7F4]  }
0x295: {  	s21 =	spop (v2sf);
	v6 =	vsel vm7, s25, v6;
	s1 =	sadd.s32 s28, s18;
	s18 =	sld [smem:$0x7F6]  }
0x296: {  	s8 =	spop (v2sf);
	v6 =	vsel vm8, s3, v6;
	s3 =	sadd.s32 s28, s20;
	s20 =	sld [smem:$0x7F8]  }
0x297: {  	s11 =	sadd.s32 s28, s11;
	s22 =	sadd.s32 $0x1E10, s8;
	v6 =	vsel vm9, s4, v6;
	s4 =	sld [smem:$0x7F2]  }
0x298: {  	s25 =	sadd.s32 s28, s2;
	s2 =	spop (v2sf);
	v8 =	vld [tilespmem:s22+$0xC060];
	v7 =	vsel vm12, s19, v7;
	s19 =	sld [smem:$0x7F7]  }
0x299: {  	s16 =	sadd.s32 s28, s16;
	s23 =	sadd.s32 $0x1E10, s2;
	v62 =	vld [tilespmem:s22+$0x8040];
	s22 =	sld [smem:$0x7F9]  }
0x29a: {  	s8 =	sadd.s32 s28, s8;
	s2 =	sadd.s32 s28, s2;
	v61 =	vld [tilespmem:s23+$0xA050];
	v6 =	vsel vm10, s10, v6;
	s10 =	sld [smem:$0x7F5]  }
0x29b: {  	s30 =	sadd.s32 s28, s5;
	v63 =	vld [tilespmem:s23+$0x6030];
	s5 =	sadd.s32 s28, s7;
	s23 =	sld [smem:$0x7FA]  }
0x29c: {  	s7 =	sadd.s32 s28, s21;
	s21 =	sld [smem:$0x7FB];
	s0 =	sadd.s32 s28, s9  }
0x29d: {  	v6 =	vsel vm11, s16, v6;
	v7 =	vsel vm13, s20, v7;
	s20 =	simm.s32 $0xE270;
	s16 =	sadd.s32 s28, s22;
	s22 =	sld [smem:$0x7FC]  }
0x29e: {  	s29 =	sadd.s32 s28, s4;
	s4 =	sadd.s32 s28, s12;
	s9 =	sadd.s32 s28, s10  }
0x29f: {  	v6 =	vsel vm12, s19, v6;
	s10 =	sadd.s32 s28, s14;
	s14 =	sadd.s32 s28, s18;
	v7 =	vsel vm14, s23, v7;
	s18 =	sld [smem:$0x7FD]  }
0x2a0: {  	s12 =	simm.s32 $0xE270;
	[dreg:$0x4] =	wrdreg s20;
	v6 =	vsel vm13, s13, v6;
	s23 =	spop (v2sf);
	(v2sf) =	vpush v8, $0x0;
	v7 =	vsel vm15, s22, v7  }
0x2a1: {  	s19 =	sadd.s32 s28, s6;
	v6 =	vsel vm14, s21, v6;
	(v2sf) =	vpush v61, $0x0;
	[tilespmem:s12+$0x0] =	vst v7;
	s12 =	sadd.s32 s28, s23;
	s23 =	simm.s32 $0xE470  }
0x2a2: {  	s21 =	simm.s32 $0xE470;
	s22 =	spop (v2sf);
	v8 =	vsel vm15, s18, v6;
	(v2sf) =	vpush v62, $0x0;
	[dreg:$0x7] =	wrdreg s23  }
0x2a3: {  	s20 =	simm.s32 $0x1E10;
	s13 =	simm.s32 $0x0;
	v6 =	vmov s17;
	v7 =	vmov s15;
	s15 =	sadd.s32 s28, s22;
	(v2sf) =	vpush v63, $0x0;
	[tilespmem:s21+$0x0] =	vst v8  }
.LBB2_8:
0x2a4: {  	_ =	sdelay $0xa  }
0x2a5: {  	s17 =	spop (v2sf)  }
0x2a6: {  	s21 =	sadd.s32 s20, s17;
	s22 =	spop (v2sf)  }
0x2a7: {  	s23 =	sadd.s32 s20, s22;
	v8 =	vld [tilespmem:s21+$0xC040]  }
0x2a8: {  	v9 =	vld [tilespmem:s23+$0xA030];
	_ =	sdelay $0x2  }
0x2a9: {  	[dreg:$0xd] =	wrdreg s25;
	s25 =	spop (v2sf)  }
0x2aa: {  	v10 =	vld [tilespmem:s21+$0x8020];
	s6 =	spop (v2sf);
	(v2sf) =	vpush v8, $0x0  }
0x2ab: {  	v11 =	vld [tilespmem:s23+$0x6010];
	(v2sf) =	vpush v9, $0x0;
	_ =	sdelay $0x3  }
0x2ac: {  	(v2sf) =	vpush v10, $0x0  }
0x2ad: {  	(v2sf) =	vpush v11, $0x0;
	_ =	sdelay $0x5  }
0x2ae: {  	s13 =	sadd.s32 $0x10, s13  }
0x2af: {  	s18 =	smov.u32 s24;
	[dreg:$0x3] =	wrdreg s13  }
0x2b0: {  	p0 =	slt.u32 s13, $0xF0;
	s20 =	sadd.s32 $0xFFFFFE00, s20;
	s24 =	sadd.s32 s28, s25  }
0x2b1: {  	s13 =	sadd.s32 s28, s6;
	s6 =	smov.u32 s30;
	s21 =	spop (v2sf)  }
0x2b2: {  	s25 =	sadd.s32 s20, s21;
	s23 =	sadd.s32 s28, s21;
	s21 =	spop (v2sf)  }
0x2b3: {  	s30 =	smov.u32 s3;
	s3 =	smov.u32 s26;
	v25 =	vld [tilespmem:s25+$0xC220];
	s26 =	sadd.s32 s20, s21  }
0x2b4: {  	v26 =	vld [tilespmem:s26+$0xA210];
	_ =	sdelay $0x1  }
0x2b5: {  	v8 =	vmov s23;
	s21 =	sadd.s32 s28, s21;
	s23 =	spop (v2sf)  }
0x2b6: {  	v27 =	vmov s21;
	s21 =	sadd.s32 s28, s23;
	s23 =	spop (v2sf)  }
0x2b7: {  	s23 =	sadd.s32 s28, s23;
	(v2sf) =	vpush v25, $0x0  }
0x2b8: {  	s22 =	sadd.s32 s28, s22;
	v12 =	vld [tilespmem:s25+$0x8200];
	v7 =	vsel vm1, s23, v7;
	(v2sf) =	vpush v26, $0x0  }
0x2b9: {  	s17 =	sadd.s32 s28, s17;
	v13 =	vld [tilespmem:s26+$0x61F0];
	v6 =	vsel vm1, s21, v6;
	v7 =	vsel vm2, s22, v7  }
0x2ba: {  	v6 =	vsel vm2, s17, v6;
	v7 =	vsel vm3, s13, v7  }
0x2bb: {  	v6 =	vsel vm3, s24, v6;
	v7 =	vsel vm4, s2, v7  }
0x2bc: {  	v6 =	vsel vm4, s8, v6;
	v7 =	vsel vm5, s15, v7  }
0x2bd: {  	v6 =	vsel vm5, s12, v6;
	(v2sf) =	vpush v12, $0x0;
	v7 =	vsel vm6, s5, v7  }
0x2be: {  	v6 =	vsel vm6, s4, v6;
	(v2sf) =	vpush v13, $0x0;
	v7 =	vsel vm7, s7, v7  }
0x2bf: {  	v6 =	vsel vm7, s19, v6;
	v7 =	vsel vm8, s11, v7  }
0x2c0: {  	v6 =	vsel vm8, s10, v6;
	v7 =	vsel vm9, s16, v7  }
0x2c1: {  	v6 =	vsel vm9, s14, v6;
	v7 =	vsel vm10, s1, v7  }
0x2c2: {  	v6 =	vsel vm10, s31, v6;
	v7 =	vsel vm11, s9, v7  }
0x2c3: {  	s25 =	rddreg [dreg:$0x5];
	v6 =	vsel vm11, s0, v6;
	v7 =	vsel vm12, s30, v7  }
0x2c4: {  	s26 =	rddreg [dreg:$0xd];
	v6 =	vsel vm12, s3, v6;
	v7 =	vsel vm13, s6, v7  }
0x2c5: {  	s24 =	rddreg [dreg:$0x6];
	v6 =	vsel vm13, s29, v6;
	v7 =	vsel vm14, s25, v7  }
0x2c6: {  	v6 =	vsel vm14, s18, v6;
	s6 =	rddreg [dreg:$0x4];
	v7 =	vsel vm15, s26, v7;
	s1 =	spop (v2sf)  }
0x2c7: {  	s9 =	rddreg [dreg:$0x7];
	v6 =	vsel vm15, s24, v6;
	[tilespmem:s6+$0xFFFFFFF0] =	vst v7;
	s2 =	sadd.s32 s20, s1;
	s3 =	spop (v2sf)  }
0x2c8: {  	[tilespmem:s9+$0xFFFFFFF0] =	vst v6;
	v6 =	vld [tilespmem:s2+$0xC200];
	s4 =	sadd.s32 s20, s3  }
0x2c9: {  	v7 =	vld [tilespmem:s4+$0xA1F0];
	_ =	sdelay $0x2  }
0x2ca: {  	s5 =	spop (v2sf)  }
0x2cb: {  	s7 =	spop (v2sf);
	(v2sf) =	vpush v6, $0x0  }
0x2cc: {  	v28 =	vld [tilespmem:s2+$0x81E0];
	(v2sf) =	vpush v7, $0x0  }
0x2cd: {  	v29 =	vld [tilespmem:s4+$0x61D0];
	_ =	sdelay $0x3  }
0x2ce: {  	(v2sf) =	vpush v28, $0x0  }
0x2cf: {  	(v2sf) =	vpush v29, $0x0;
	_ =	sdelay $0x7  }
0x2d0: {  	s8 =	spop (v2sf)  }
0x2d1: {  	s10 =	sadd.s32 s20, s8;
	s11 =	spop (v2sf)  }
0x2d2: {  	v6 =	vld [tilespmem:s10+$0xC1E0];
	s12 =	sadd.s32 s20, s11  }
0x2d3: {  	v7 =	vld [tilespmem:s12+$0xA1D0];
	_ =	sdelay $0x2  }
0x2d4: {  	s13 =	spop (v2sf)  }
0x2d5: {  	s14 =	spop (v2sf);
	(v2sf) =	vpush v6, $0x0  }
0x2d6: {  	v30 =	vld [tilespmem:s10+$0x81C0];
	(v2sf) =	vpush v7, $0x0  }
0x2d7: {  	v31 =	vld [tilespmem:s12+$0x61B0];
	_ =	sdelay $0x3  }
0x2d8: {  	(v2sf) =	vpush v30, $0x0  }
0x2d9: {  	(v2sf) =	vpush v31, $0x0;
	_ =	sdelay $0x7  }
0x2da: {  	s15 =	spop (v2sf)  }
0x2db: {  	s16 =	sadd.s32 s20, s15;
	s17 =	spop (v2sf)  }
0x2dc: {  	v6 =	vld [tilespmem:s16+$0xC1C0];
	s18 =	sadd.s32 s20, s17  }
0x2dd: {  	v7 =	vld [tilespmem:s18+$0xA1B0];
	_ =	sdelay $0x2  }
0x2de: {  	s19 =	spop (v2sf)  }
0x2df: {  	s21 =	spop (v2sf);
	(v2sf) =	vpush v6, $0x0  }
0x2e0: {  	v32 =	vld [tilespmem:s16+$0x81A0];
	(v2sf) =	vpush v7, $0x0  }
0x2e1: {  	v33 =	vld [tilespmem:s18+$0x6190];
	_ =	sdelay $0x3  }
0x2e2: {  	(v2sf) =	vpush v32, $0x0  }
0x2e3: {  	(v2sf) =	vpush v33, $0x0;
	_ =	sdelay $0x2  }
0x2e4: {  	s0 =	sadd.s32 s28, s1  }
0x2e5: {  	[dreg:$0x8] =	wrdreg s0;
	s0 =	sadd.s32 s28, s3  }
0x2e6: {  	[dreg:$0x9] =	wrdreg s0;
	s0 =	sadd.s32 s28, s5  }
0x2e7: {  	[dreg:$0xa] =	wrdreg s0;
	s0 =	sadd.s32 s28, s7  }
0x2e8: {  	[dreg:$0xb] =	wrdreg s0;
	s0 =	sadd.s32 s28, s8  }
0x2e9: {  	[dreg:$0xc] =	wrdreg s0;
	s0 =	spop (v2sf)  }
0x2ea: {  	s1 =	sadd.s32 s20, s0;
	s3 =	spop (v2sf)  }
0x2eb: {  	v6 =	vld [tilespmem:s1+$0xC1A0];
	s4 =	sadd.s32 s20, s3  }
0x2ec: {  	v7 =	vld [tilespmem:s4+$0xA190];
	_ =	sdelay $0x2  }
0x2ed: {  	s12 =	spop (v2sf)  }
0x2ee: {  	s24 =	sadd.s32 s28, s13;
	s13 =	spop (v2sf);
	(v2sf) =	vpush v6, $0x0  }
0x2ef: {  	v34 =	vld [tilespmem:s1+$0x8180];
	(v2sf) =	vpush v7, $0x0  }
0x2f0: {  	v35 =	vld [tilespmem:s4+$0x6170];
	_ =	sdelay $0x3  }
0x2f1: {  	(v2sf) =	vpush v34, $0x0  }
0x2f2: {  	(v2sf) =	vpush v35, $0x0;
	_ =	sdelay $0x7  }
0x2f3: {  	s23 =	sadd.s32 s28, s15;
	s15 =	spop (v2sf)  }
0x2f4: {  	s22 =	sadd.s32 s28, s17;
	s17 =	sadd.s32 s20, s15;
	s18 =	spop (v2sf)  }
0x2f5: {  	s26 =	sadd.s32 s28, s14;
	s14 =	sadd.s32 s28, s19;
	v6 =	vld [tilespmem:s17+$0xC180];
	s19 =	sadd.s32 s20, s18  }
0x2f6: {  	v7 =	vld [tilespmem:s19+$0xA170];
	_ =	sdelay $0x2  }
0x2f7: {  	s16 =	sadd.s32 s28, s21;
	s21 =	spop (v2sf)  }
0x2f8: {  	s25 =	sadd.s32 s28, s11;
	s11 =	sadd.s32 s28, s0;
	s0 =	spop (v2sf);
	(v2sf) =	vpush v6, $0x0  }
0x2f9: {  	v36 =	vld [tilespmem:s17+$0x8160];
	(v2sf) =	vpush v7, $0x0  }
0x2fa: {  	v37 =	vld [tilespmem:s19+$0x6150];
	_ =	sdelay $0x3  }
0x2fb: {  	(v2sf) =	vpush v36, $0x0  }
0x2fc: {  	(v2sf) =	vpush v37, $0x0;
	_ =	sdelay $0x7  }
0x2fd: {  	s1 =	spop (v2sf)  }
0x2fe: {  	s10 =	sadd.s32 s28, s3;
	s3 =	sadd.s32 s20, s1;
	s17 =	spop (v2sf)  }
0x2ff: {  	s31 =	sadd.s32 s20, s17;
	v6 =	vld [tilespmem:s3+$0xC160]  }
0x300: {  	v7 =	vld [tilespmem:s31+$0xA150];
	_ =	sdelay $0x2  }
0x301: {  	s8 =	sadd.s32 s28, s18;
	s18 =	spop (v2sf)  }
0x302: {  	s19 =	spop (v2sf);
	(v2sf) =	vpush v6, $0x0  }
0x303: {  	v38 =	vld [tilespmem:s3+$0x8140];
	(v2sf) =	vpush v7, $0x0  }
0x304: {  	v39 =	vld [tilespmem:s31+$0x6130];
	_ =	sdelay $0x3  }
0x305: {  	(v2sf) =	vpush v38, $0x0  }
0x306: {  	(v2sf) =	vpush v39, $0x0;
	_ =	sdelay $0x7  }
0x307: {  	s5 =	sadd.s32 s28, s12;
	s12 =	sadd.s32 s28, s21;
	s21 =	spop (v2sf)  }
0x308: {  	s2 =	sadd.s32 s28, s0;
	s0 =	sadd.s32 s20, s21;
	s31 =	spop (v2sf)  }
0x309: {  	s3 =	sadd.s32 s20, s31;
	v6 =	vld [tilespmem:s0+$0xC140]  }
0x30a: {  	v7 =	vld [tilespmem:s3+$0xA130];
	_ =	sdelay $0x2  }
0x30b: {  	s30 =	sadd.s32 s28, s18;
	s18 =	spop (v2sf)  }
0x30c: {  	s29 =	sadd.s32 s28, s19;
	v40 =	vld [tilespmem:s0+$0x8120];
	s19 =	spop (v2sf);
	(v2sf) =	vpush v6, $0x0  }
0x30d: {  	v41 =	vld [tilespmem:s3+$0x6110];
	(v2sf) =	vpush v7, $0x0;
	_ =	sdelay $0x3  }
0x30e: {  	(v2sf) =	vpush v40, $0x0  }
0x30f: {  	(v2sf) =	vpush v41, $0x0;
	_ =	sdelay $0x7  }
0x310: {  	s7 =	sadd.s32 s28, s13;
	s4 =	sadd.s32 s28, s15;
	s15 =	sadd.s32 s28, s1  }
0x311: {  	s13 =	sadd.s32 s28, s21;
	s1 =	sadd.s32 s28, s18;
	s3 =	spop (v2sf)  }
0x312: {  	s18 =	sadd.s32 s28, s19;
	s21 =	sadd.s32 s20, s3;
	s19 =	spop (v2sf)  }
0x313: {  	s0 =	sadd.s32 s28, s3;
	v42 =	vld [tilespmem:s21+$0xC120];
	s3 =	sadd.s32 s20, s19  }
0x314: {  	v43 =	vld [tilespmem:s3+$0xA110];
	_ =	sdelay $0x1  }
0x315: {  	v6 =	vmov s0;
	s0 =	sadd.s32 s28, s19;
	s19 =	spop (v2sf)  }
0x316: {  	v7 =	vmov s0;
	s0 =	spop (v2sf)  }
0x317: {  	s0 =	sadd.s32 s28, s0;
	(v2sf) =	vpush v42, $0x0  }
0x318: {  	s31 =	sadd.s32 s28, s31;
	v44 =	vld [tilespmem:s21+$0x8100];
	s19 =	sadd.s32 s28, s19;
	v9 =	vsel vm1, s0, v27;
	(v2sf) =	vpush v43, $0x0  }
0x319: {  	v45 =	vld [tilespmem:s3+$0x60F0];
	v8 =	vsel vm1, s19, v8;
	v9 =	vsel vm2, s31, v9  }
0x31a: {  	s17 =	sadd.s32 s28, s17;
	v8 =	vsel vm2, s13, v8;
	v9 =	vsel vm3, s18, v9  }
0x31b: {  	v8 =	vsel vm3, s1, v8;
	v9 =	vsel vm4, s17, v9  }
0x31c: {  	v8 =	vsel vm4, s15, v8;
	v9 =	vsel vm5, s29, v9  }
0x31d: {  	v8 =	vsel vm5, s30, v8;
	(v2sf) =	vpush v44, $0x0;
	v9 =	vsel vm6, s8, v9  }
0x31e: {  	v8 =	vsel vm6, s4, v8;
	(v2sf) =	vpush v45, $0x0;
	v9 =	vsel vm7, s2, v9  }
0x31f: {  	v8 =	vsel vm7, s12, v8;
	v9 =	vsel vm8, s10, v9  }
0x320: {  	v8 =	vsel vm8, s11, v8;
	v9 =	vsel vm9, s7, v9  }
0x321: {  	v8 =	vsel vm9, s5, v8;
	v9 =	vsel vm10, s22, v9  }
0x322: {  	s15 =	rddreg [dreg:$0x8];
	v8 =	vsel vm10, s23, v8;
	v9 =	vsel vm11, s16, v9  }
0x323: {  	v8 =	vsel vm11, s14, v8;
	s14 =	rddreg [dreg:$0xc];
	v9 =	vsel vm12, s25, v9  }
0x324: {  	s17 =	rddreg [dreg:$0x9];
	v8 =	vsel vm12, s14, v8;
	v9 =	vsel vm13, s26, v9  }
0x325: {  	s18 =	rddreg [dreg:$0xb];
	v8 =	vsel vm13, s24, v8;
	v9 =	vsel vm14, s17, v9  }
0x326: {  	s6 =	sadd.s32 $0xFFFFFFE0, s6;
	s16 =	rddreg [dreg:$0xa];
	v8 =	vsel vm14, s15, v8;
	v9 =	vsel vm15, s18, v9;
	s19 =	spop (v2sf)  }
0x327: {  	s9 =	sadd.s32 $0xFFFFFFE0, s9;
	v8 =	vsel vm15, s16, v8;
	[tilespmem:s6+$0x0] =	vst v9;
	s21 =	sadd.s32 s20, s19;
	s22 =	spop (v2sf)  }
0x328: {  	[tilespmem:s9+$0x0] =	vst v8;
	v8 =	vld [tilespmem:s21+$0xC100];
	s23 =	sadd.s32 s20, s22  }
0x329: {  	v46 =	vld [tilespmem:s23+$0xA0F0];
	_ =	sdelay $0x2  }
0x32a: {  	s25 =	spop (v2sf)  }
0x32b: {  	s26 =	spop (v2sf);
	(v2sf) =	vpush v8, $0x0  }
0x32c: {  	v47 =	vld [tilespmem:s21+$0x80E0];
	(v2sf) =	vpush v46, $0x0  }
0x32d: {  	v48 =	vld [tilespmem:s23+$0x60D0];
	_ =	sdelay $0x3  }
0x32e: {  	(v2sf) =	vpush v47, $0x0  }
0x32f: {  	(v2sf) =	vpush v48, $0x0;
	_ =	sdelay $0x7  }
0x330: {  	s3 =	spop (v2sf)  }
0x331: {  	s4 =	sadd.s32 s20, s3;
	s5 =	spop (v2sf)  }
0x332: {  	[dreg:$0x4] =	wrdreg s6;
	v8 =	vld [tilespmem:s4+$0xC0E0];
	s6 =	sadd.s32 s20, s5  }
0x333: {  	v49 =	vld [tilespmem:s6+$0xA0D0];
	_ =	sdelay $0x2  }
0x334: {  	s7 =	spop (v2sf)  }
0x335: {  	s8 =	spop (v2sf);
	(v2sf) =	vpush v8, $0x0  }
0x336: {  	v50 =	vld [tilespmem:s4+$0x80C0];
	(v2sf) =	vpush v49, $0x0  }
0x337: {  	v51 =	vld [tilespmem:s6+$0x60B0];
	_ =	sdelay $0x3  }
0x338: {  	(v2sf) =	vpush v50, $0x0  }
0x339: {  	(v2sf) =	vpush v51, $0x0;
	_ =	sdelay $0x7  }
0x33a: {  	[dreg:$0x7] =	wrdreg s9;
	s9 =	spop (v2sf)  }
0x33b: {  	s10 =	sadd.s32 s20, s9;
	s11 =	spop (v2sf)  }
0x33c: {  	v8 =	vld [tilespmem:s10+$0xC0C0];
	s12 =	sadd.s32 s20, s11  }
0x33d: {  	v52 =	vld [tilespmem:s12+$0xA0B0];
	_ =	sdelay $0x2  }
0x33e: {  	s13 =	spop (v2sf)  }
0x33f: {  	s14 =	spop (v2sf);
	(v2sf) =	vpush v8, $0x0  }
0x340: {  	v53 =	vld [tilespmem:s10+$0x80A0];
	(v2sf) =	vpush v52, $0x0  }
0x341: {  	v54 =	vld [tilespmem:s12+$0x6090];
	_ =	sdelay $0x3  }
0x342: {  	(v2sf) =	vpush v53, $0x0  }
0x343: {  	(v2sf) =	vpush v54, $0x0;
	_ =	sdelay $0x7  }
0x344: {  	s15 =	spop (v2sf)  }
0x345: {  	s16 =	sadd.s32 s20, s15;
	s17 =	spop (v2sf)  }
0x346: {  	v8 =	vld [tilespmem:s16+$0xC0A0];
	s18 =	sadd.s32 s20, s17  }
0x347: {  	v55 =	vld [tilespmem:s18+$0xA090];
	_ =	sdelay $0x2  }
0x348: {  	s24 =	sadd.s32 s28, s19;
	s19 =	spop (v2sf)  }
0x349: {  	s21 =	spop (v2sf);
	(v2sf) =	vpush v8, $0x0  }
0x34a: {  	v56 =	vld [tilespmem:s16+$0x8080];
	(v2sf) =	vpush v55, $0x0  }
0x34b: {  	v57 =	vld [tilespmem:s18+$0x6070];
	_ =	sdelay $0x3  }
0x34c: {  	(v2sf) =	vpush v56, $0x0  }
0x34d: {  	(v2sf) =	vpush v57, $0x0;
	_ =	sdelay $0x5  }
0x34e: {  	s0 =	sadd.s32 s28, s22  }
0x34f: {  	[dreg:$0x5] =	wrdreg s0;
	s0 =	sadd.s32 s28, s25  }
0x350: {  	s25 =	sadd.s32 s28, s26;
	s26 =	sadd.s32 s28, s3;
	s22 =	spop (v2sf)  }
0x351: {  	s3 =	sadd.s32 s28, s5;
	s23 =	sadd.s32 s20, s22;
	s5 =	spop (v2sf)  }
0x352: {  	v8 =	vld [tilespmem:s23+$0xC080];
	s6 =	sadd.s32 s20, s5  }
0x353: {  	v58 =	vld [tilespmem:s6+$0xA070];
	_ =	sdelay $0x2  }
0x354: {  	s12 =	spop (v2sf)  }
0x355: {  	[dreg:$0x6] =	wrdreg s0;
	s0 =	sadd.s32 s28, s13;
	s13 =	spop (v2sf);
	(v2sf) =	vpush v8, $0x0  }
0x356: {  	v59 =	vld [tilespmem:s23+$0x8060];
	(v2sf) =	vpush v58, $0x0  }
0x357: {  	v60 =	vld [tilespmem:s6+$0x6050];
	_ =	sdelay $0x3  }
0x358: {  	(v2sf) =	vpush v59, $0x0  }
0x359: {  	(v2sf) =	vpush v60, $0x0;
	_ =	sdelay $0x7  }
0x35a: {  	s1 =	sadd.s32 s28, s11;
	s10 =	sadd.s32 s28, s15;
	s15 =	spop (v2sf)  }
0x35b: {  	s11 =	sadd.s32 s28, s17;
	s17 =	sadd.s32 s20, s15;
	s18 =	spop (v2sf)  }
0x35c: {  	s16 =	sadd.s32 s28, s21;
	s21 =	sadd.s32 s20, s18;
	v8 =	vld [tilespmem:s17+$0xC060]  }
0x35d: {  	v61 =	vld [tilespmem:s21+$0xA050]  }
0x35e: {  	v62 =	vld [tilespmem:s17+$0x8040]  }
0x35f: {  	s29 =	sadd.s32 s28, s7;
	s30 =	sadd.s32 s28, s8;
	v63 =	vld [tilespmem:s21+$0x6030]  }
.Ltmp4:
0x360: {  	s4 =	sadd.s32 s28, s22;
	s22 =	spop (v2sf);
	(pc) =	sbr.rel @p0 .LBB2_8-.Ltmp4, $4  }
0x361: {  	s31 =	sadd.s32 s28, s9;
	s9 =	sadd.s32 s28, s14;
	s23 =	spop (v2sf);
	(v2sf) =	vpush v8, $0x0  }
0x362: {  	s14 =	sadd.s32 s28, s19;
	s5 =	sadd.s32 s28, s5;
	s19 =	sadd.s32 s28, s12;
	(v2sf) =	vpush v61, $0x0  }
0x363: {  	s7 =	sadd.s32 s28, s13;
	s13 =	rddreg [dreg:$0x3];
	s8 =	sadd.s32 s28, s15;
	(v2sf) =	vpush v62, $0x0  }
0x364: {  	s2 =	sadd.s32 s28, s18;
	s12 =	sadd.s32 s28, s22;
	s15 =	sadd.s32 s28, s23;
	(v2sf) =	vpush v63, $0x0  }
0x365: {  	_ =	sdelay $0xa  }
0x366: {  	s13 =	spop (v2sf)  }
0x367: {  	s17 =	sadd.s32 s20, s13;
	s22 =	spop (v2sf)  }
0x368: {  	s6 =	sadd.s32 s20, s22;
	v8 =	vld [tilespmem:s17+$0xC040]  }
0x369: {  	v9 =	vld [tilespmem:s6+$0xA030]  }
0x36a: {  	v10 =	vld [tilespmem:s17+$0x8020]  }
0x36b: {  	v11 =	vld [tilespmem:s6+$0x6010];
	_ =	sdelay $0x1  }
0x36c: {  	(v2sf) =	vpush v8, $0x0  }
0x36d: {  	(v2sf) =	vpush v9, $0x0  }
0x36e: {  	(v2sf) =	vpush v10, $0x0  }
0x36f: {  	(v2sf) =	vpush v11, $0x0;
	_ =	sdelay $0x9  }
0x370: {  	s17 =	spop (v2sf)  }
0x371: {  	s23 =	spop (v2sf)  }
0x372: {  	s18 =	spop (v2sf)  }
0x373: {  	s21 =	spop (v2sf)  }
0x374: {  	s20 =	spop (v2sf)  }
0x375: {  	s21 =	spop (v2sf)  }
0x376: {  	s21 =	sadd.s32 s28, s21  }
0x377: {  	s22 =	sadd.s32 s28, s22;
	v7 =	vsel vm1, s21, v7  }
0x378: {  	s6 =	sadd.s32 s28, s23;
	s20 =	sadd.s32 s28, s20;
	v7 =	vsel vm2, s22, v7  }
0x379: {  	s13 =	sadd.s32 s28, s13;
	v6 =	vsel vm1, s20, v6;
	v7 =	vsel vm3, s6, v7  }
0x37a: {  	s18 =	sadd.s32 s28, s17;
	v6 =	vsel vm2, s13, v6;
	v7 =	vsel vm4, s2, v7  }
0x37b: {  	v6 =	vsel vm3, s18, v6;
	v7 =	vsel vm5, s15, v7  }
0x37c: {  	v6 =	vsel vm4, s8, v6;
	v7 =	vsel vm6, s5, v7  }
0x37d: {  	v6 =	vsel vm5, s12, v6;
	v7 =	vsel vm7, s7, v7  }
0x37e: {  	v6 =	vsel vm6, s4, v6;
	v7 =	vsel vm8, s11, v7  }
0x37f: {  	v6 =	vsel vm7, s19, v6;
	v7 =	vsel vm9, s16, v7  }
0x380: {  	v6 =	vsel vm8, s10, v6;
	v7 =	vsel vm10, s1, v7  }
0x381: {  	v6 =	vsel vm9, s14, v6;
	v7 =	vsel vm11, s9, v7  }
0x382: {  	v6 =	vsel vm10, s31, v6;
	v7 =	vsel vm12, s3, v7  }
0x383: {  	s19 =	rddreg [dreg:$0x5];
	v6 =	vsel vm11, s0, v6;
	v7 =	vsel vm13, s30, v7  }
0x384: {  	v6 =	vsel vm12, s26, v6;
	v7 =	vsel vm14, s19, v7  }
0x385: {  	s21 =	rddreg [dreg:$0x4];
	v6 =	vsel vm13, s29, v6;
	v7 =	vsel vm15, s25, v7  }
0x386: {  	s20 =	rddreg [dreg:$0x6];
	v6 =	vsel vm14, s24, v6;
	[tilespmem:s21+$0xFFFFFFF0] =	vst v7  }
0x387: {  	v6 =	vsel vm15, s20, v6;
	s0 =	rddreg [dreg:$0x7]  }
0x388: {  	s22 =	simm.s32 $0x0;
	[tilespmem:s0+$0xFFFFFFF0] =	vst v6  }
0x389: {  	s24 =	simm.s32 $0xE080;
	s25 =	simm.s32 $0x3;
	s23 =	rddreg [dreg:$0xe]  }
0x38a: {  	[hbm4b:s23+s22] =	stream.linear.scatter [tilespmem:s24], [sflag:$0x3], $0x200, $0x38;
	[tilespmem:$0xE480] =	vst v63  }
0x38b: {  	_ =	swait.ge [sflag:s25], $0x200  }
0x38c: {  	[sflag:s25] =	ssyncset.done $0x0  }
0x38d: {  	s29 =	simm.s32 $0xE280;
	s26 =	rddreg [dreg:$0xf];
	[sflag:s25] =	ssyncadd.s32 $0xFFFFFE00  }
0x38e: {  	[hbm4b:s26+s22] =	stream.linear.scatter [tilespmem:s29], [sflag:$0x3], $0x200, $0x38;
	[tilespmem:$0xE480] =	vst v63  }
0x38f: {  	_ =	swait.ge [sflag:s25], $0x200  }
0x390: {  	s30 =	rddreg [dreg:$0x13]  }
0x391: {  	s31 =	rddreg [dreg:$0x12];
	s1 =	sadd.s32 $0x1, s30  }
0x392: {  	p0 =	sne.s32 s1, s31  }
.Ltmp5:
0x393: {  	_ = 	snop;
	(pc) =	sbr.rel @p0 .LBB2_2-.Ltmp5, $3  }
0x394: {  	_ =	sdelay $0x1  }
0x395: {  	[sflag:s25] =	ssyncset.done $0x0  }
0x396: {  	s13 =	simm.s32 $0x4000;
	[sflag:s25] =	ssyncadd.s32 $0xFFFFFE00  }
.LBB2_10:
0x397: {  	_ =	sfence.sel $0x180000  }
0x398: {  	[bflag:$0x0] =	sbarrier.arrive $0xFFFF  }
0x399: {  	_ =	strace $0x90000047  }
0x39a: {  	s0 =	stileid.u32;
	[bflag:$0x2] =	sbarrier.arrive $0xFFFF  }
0x39b: {  	p0 =	sne.s32 s0, $0x0;
	s0 =	rddreg [dreg:$0x2]  }
0x39c: {  	s0 =	sadd.s32 @!p0 $0x100000, s0  }
0x39d: {  	[sflag:s0] =	ssyncadd.tile.s32 @!p0 $0x1;
	_ =	shalt  }
.Lfunc_end2:
_tile_overlayer_lowered:
.L_overlay_start_2:
0x39e: {  	(tag) =	ssettag $0x2  }
0x39f: {  	s0 =	rddreg [dreg:$0x0];
	s2 =	stileid.u32  }
0x3a0: {  	s1 =	rddreg [dreg:$0x1];
	p0 =	sne.s32 s2, $0x0  }
0x3a1: {  	s3 =	rddreg [dreg:$0x2];
	[bflag:$0x3] =	sbarrier.arrive $0xFFFF;
	s2 =	simm.s32 @!p0 $0x1C03  }
0x3a2: {  	[timem:s3], [sflag:s2] =	dma.local @!p0 [hbm:s0], s1  }
0x3a3: {  	s0 =	simm.s32 @!p0 $0x3  }
0x3a4: {  	_ =	swait.ge @!p0 [sflag:s0], s1  }
0x3a5: {  	s1 =	ssub.s32 @!p0 $0x0, s1;
	[sflag:s0] =	ssyncset.done @!p0 $0x0  }
0x3a6: {  	[sflag:s0] =	ssyncadd.s32 @!p0 s1  }
0x3a7: {  	[bflag:$0x3] =	sbarrier.arrive $0xFFFF  }
0x3a8: {  	_ =	shalt  }

</sc_bundles>
